<compile_context>
chip_gen: v7x
topology: tpu7x:2x2x1
jax: 0.10.2.dev20260603
libtpu: 0.0.44.dev20260713+nightly
codegen_flags: <defaults>
</compile_context>

<pallas_src>
import functools

import numpy as np
import jax
import jax.numpy as jnp
from jax import lax
from jax.experimental import pallas as pl
from jax.experimental.pallas import tpu as pltpu
from jax.experimental.pallas import tpu_sc as plsc

S = 2048
D = 768
H = 12
F = 3072
E = 8
CAP = 512
EPS = 1e-5
DH = D // H
HD = D // 2
NSLOT = E * CAP
TRASH = NSLOT
NSLOTP = NSLOT + CAP
BS = 512
NB = S // BS
EP = 128
NFB = 4
FB = F // NFB

SC_NC = 2
SC_NS = 16
SC_NW = SC_NC * SC_NS
TPW = S // SC_NW
SPW = NSLOTP // SC_NW

_HIGH = lax.Precision.HIGHEST
_DEF = lax.Precision.DEFAULT


def _dot_t(a, b, precision):
    return lax.dot_general(a, b, (((1,), (1,)), ((), ())),
                           precision=precision,
                           preferred_element_type=jnp.float32)


def _dot_t_bf(a, b):
    return lax.dot_general(a.astype(jnp.bfloat16), b.astype(jnp.bfloat16),
                           (((1,), (1,)), ((), ())),
                           preferred_element_type=jnp.float32)


def _dot_bf(a, b):
    return lax.dot_general(a.astype(jnp.bfloat16), b.astype(jnp.bfloat16),
                           (((1,), (0,)), ((), ())),
                           preferred_element_type=jnp.float32)


def _k1_body(q_ref, k_ref, v_ref, cc_ref, ss_ref, g_ref, b_ref,
             w_ref, bias_ref, oq_ref, ok_ref, ov_ref):
    cc = cc_ref[...]
    ss = ss_ref[...]
    g = g_ref[...]
    b = b_ref[...]
    evenlane = lax.broadcasted_iota(jnp.int32, (BS, D), 1) % 2 == 0
    for x_ref, t, out_ref in ((q_ref, 0, oq_ref), (k_ref, 1, ok_ref),
                              (v_ref, 2, ov_ref)):
        x = x_ref[...]
        m = jnp.mean(x, 1, keepdims=True)
        c = x - m
        var = jnp.mean(c * c, 1, keepdims=True)
        xn = c / jnp.sqrt(var + EPS) * g + b
        sw = jnp.where(evenlane, pltpu.roll(xn, D - 1, 1), pltpu.roll(xn, 1, 1))
        o = xn * cc + sw * ss
        out_ref[...] = (_dot_t_bf(o, w_ref[0, t * D:(t + 1) * D, :])
                        + bias_ref[0, t:t + 1, :])


def _qkv_proj(q2, k2, v2, cc, ss, g1, b1, w_in, bias3):
    outs = pl.pallas_call(
        _k1_body,
        grid=(NB,),
        in_specs=[
            pl.BlockSpec((BS, D), lambda i: (i, 0)),
            pl.BlockSpec((BS, D), lambda i: (i, 0)),
            pl.BlockSpec((BS, D), lambda i: (i, 0)),
            pl.BlockSpec((BS, D), lambda i: (i, 0)),
            pl.BlockSpec((BS, D), lambda i: (i, 0)),
            pl.BlockSpec((1, D), lambda i: (0, 0)),
            pl.BlockSpec((1, D), lambda i: (0, 0)),
            pl.BlockSpec((1, 3 * D, D), lambda i: (0, 0, 0)),
            pl.BlockSpec((1, 3, D), lambda i: (0, 0, 0)),
        ],
        out_specs=[pl.BlockSpec((BS, D), lambda i: (i, 0))] * 3,
        out_shape=[jax.ShapeDtypeStruct((S, D), jnp.float32)] * 3,
    )(q2, k2, v2, cc, ss, g1, b1, w_in, bias3)
    return outs


def _k2_body(q_ref, k_ref, v_ref, out_ref):
    q = q_ref[...]
    k = k_ref[...]
    v = v_ref[...]
    outs = []
    for p in range(2):
        qs = q[:, p * DH:(p + 1) * DH]
        ks = k[:, p * DH:(p + 1) * DH]
        vs = v[:, p * DH:(p + 1) * DH]
        s = _dot_t_bf(qs, ks) * 0.125
        m = jnp.max(s, 1, keepdims=True)
        e = jnp.exp(s - m)
        l = jnp.sum(e, 1, keepdims=True)
        pn = e / l
        outs.append(_dot_bf(pn, vs))
    out_ref[...] = jnp.concatenate(outs, 1)


def _attention(qp, kp, vp):
    return pl.pallas_call(
        _k2_body,
        grid=(H // 2, NB),
        in_specs=[
            pl.BlockSpec((BS, 2 * DH), lambda h, i: (i, h)),
            pl.BlockSpec((S, 2 * DH), lambda h, i: (0, h)),
            pl.BlockSpec((S, 2 * DH), lambda h, i: (0, h)),
        ],
        out_specs=pl.BlockSpec((BS, 2 * DH), lambda h, i: (i, h)),
        out_shape=jax.ShapeDtypeStruct((S, D), jnp.float32),
    )(qp, kp, vp)


def _k3_body(ctx_ref, q_ref, wout_ref, bout_ref, g2_ref, b2_ref, rw_ref,
             tril_ref, x_ref, xn_ref, lg_ref, mask_ref, scale_ref, slot_ref,
             carry_ref):
    x = q_ref[...] + (_dot_t_bf(ctx_ref[...], wout_ref[...]) + bout_ref[...])
    m = jnp.mean(x, 1, keepdims=True)
    c = x - m
    var = jnp.mean(c * c, 1, keepdims=True)
    xn = c / jnp.sqrt(var + EPS) * g2_ref[...] + b2_ref[...]
    x_ref[...] = x
    xn_ref[...] = xn
    lg = _dot_t_bf(xn, rw_ref[...])
    lg_ref[...] = lg

    b = pl.program_id(0)

    @pl.when(b == 0)
    def _init():
        carry_ref[...] = jnp.zeros_like(carry_ref)

    lanes = lax.broadcasted_iota(jnp.int32, (BS, EP), 1)
    valid = lanes < E
    lgm = jnp.where(valid, lg, -1e30)
    mx = jnp.max(lgm, 1, keepdims=True)
    eexp = jnp.exp(lgm - mx)
    ssum = jnp.sum(eexp, 1, keepdims=True)
    probs = eexp / ssum
    top = jnp.max(probs, 1, keepdims=True)
    is_top = jnp.logical_and(probs == top, valid)
    idxv = jnp.min(jnp.where(is_top, lanes, EP - 1), 1, keepdims=True)
    oh = (lanes == idxv).astype(jnp.float32)
    carry = carry_ref[0:1, :]
    pos = lax.dot_general(tril_ref[...], oh, (((1,), (0,)), ((), ())),
                          precision=_HIGH,
                          preferred_element_type=jnp.float32) + carry
    carry_ref[0:1, :] = carry + jnp.sum(oh, 0, keepdims=True)
    pos_tok = jnp.sum(pos * oh, 1, keepdims=True)
    win = pos_tok <= float(CAP)
    scale = jnp.where(win, top, 0.0)
    mask_ref[...] = oh * scale
    scale_ref[...] = jnp.broadcast_to(scale, (BS, EP))
    slot = jnp.where(win, idxv * CAP + pos_tok.astype(jnp.int32) - 1, TRASH)
    slot_ref[...] = jnp.broadcast_to(slot, (BS, EP))


def _post_attn(ctx, query2d, w_out, b_out2, g2, b2, rw_pad, tril):
    return pl.pallas_call(
        _k3_body,
        grid=(NB,),
        in_specs=[
            pl.BlockSpec((BS, D), lambda i: (i, 0)),
            pl.BlockSpec((BS, D), lambda i: (i, 0)),
            pl.BlockSpec((D, D), lambda i: (0, 0)),
            pl.BlockSpec((1, D), lambda i: (0, 0)),
            pl.BlockSpec((1, D), lambda i: (0, 0)),
            pl.BlockSpec((1, D), lambda i: (0, 0)),
            pl.BlockSpec((EP, D), lambda i: (0, 0)),
            pl.BlockSpec((BS, BS), lambda i: (0, 0)),
        ],
        out_specs=[
            pl.BlockSpec((BS, D), lambda i: (i, 0)),
            pl.BlockSpec((BS, D), lambda i: (i, 0)),
            pl.BlockSpec((BS, EP), lambda i: (i, 0)),
            pl.BlockSpec((BS, EP), lambda i: (i, 0)),
            pl.BlockSpec((BS, EP), lambda i: (i, 0)),
            pl.BlockSpec((BS, EP), lambda i: (i, 0)),
        ],
        out_shape=[
            jax.ShapeDtypeStruct((S, D), jnp.float32),
            jax.ShapeDtypeStruct((S, D), jnp.float32),
            jax.ShapeDtypeStruct((S, EP), jnp.float32),
            jax.ShapeDtypeStruct((S, EP), jnp.float32),
            jax.ShapeDtypeStruct((S, EP), jnp.float32),
            jax.ShapeDtypeStruct((S, EP), jnp.int32),
        ],
        scratch_shapes=[pltpu.VMEM((8, EP), jnp.float32)],
    )(ctx, query2d, w_out, b_out2, g2, b2, rw_pad, tril)


@functools.cache
def _sc_dispatch_kernel():
    mesh = plsc.VectorSubcoreMesh(core_axis_name="c", subcore_axis_name="s")

    @functools.partial(
        pl.kernel,
        mesh=mesh,
        out_type=[
            jax.ShapeDtypeStruct((NSLOTP, D), jnp.float32),
            jax.ShapeDtypeStruct((NSLOTP, EP), jnp.float32),
        ],
        scratch_types=[
            pltpu.VMEM((TPW,), jnp.int32),
            pltpu.VMEM((TPW, D), jnp.float32),
            pltpu.VMEM((TPW, EP), jnp.float32),
            pltpu.SemaphoreType.DMA,
            pltpu.SemaphoreType.DMA,
        ],
    )
    def body(xn_hbm, scale_hbm, slots_hbm, disp_hbm, sslot_hbm,
             idx_v, rows_v, srows_v, sem1, sem2):
        wid = lax.axis_index("s") * SC_NC + lax.axis_index("c")
        base = wid * TPW
        pltpu.sync_copy(slots_hbm.at[pl.ds(base, TPW)], idx_v)
        pltpu.sync_copy(xn_hbm.at[pl.ds(base, TPW)], rows_v)
        pltpu.sync_copy(scale_hbm.at[pl.ds(base, TPW)], srows_v)
        cp1 = pltpu.async_copy(rows_v, disp_hbm.at[idx_v], sem1)
        cp2 = pltpu.async_copy(srows_v, sslot_hbm.at[idx_v], sem2)
        cp1.wait()
        cp2.wait()

    return body


def _sc_dispatch(xn, scale128, slots):
    return _sc_dispatch_kernel()(xn, scale128, slots)


@functools.cache
def _sc_combine_kernel():
    mesh = plsc.VectorSubcoreMesh(core_axis_name="c", subcore_axis_name="s")

    @functools.partial(
        pl.kernel,
        mesh=mesh,
        out_type=jax.ShapeDtypeStruct((S, D), jnp.float32),
        scratch_types=[
            pltpu.VMEM((TPW,), jnp.int32),
            pltpu.VMEM((TPW, D), jnp.float32),
            pltpu.SemaphoreType.DMA,
        ],
    )
    def body(dout_hbm, slots_hbm, moe_hbm, idx_v, rows_v, sem):
        wid = lax.axis_index("s") * SC_NC + lax.axis_index("c")
        base = wid * TPW
        pltpu.sync_copy(slots_hbm.at[pl.ds(base, TPW)], idx_v)
        pltpu.async_copy(dout_hbm.at[idx_v], rows_v, sem).wait()
        pltpu.sync_copy(rows_v, moe_hbm.at[pl.ds(base, TPW)])

    return body


def _sc_combine(dout, slots):
    return _sc_combine_kernel()(dout, slots)


def _k5_body(disp_ref, wi_ref, wo_ref, scale_ref, out_ref):
    e = pl.program_id(0)
    f = pl.program_id(1)

    @pl.when(f == 0)
    def _zero():
        out_ref[...] = jnp.zeros_like(out_ref)

    @pl.when(e < E)
    def _compute():
        x = disp_ref[0]
        h = _dot_t_bf(x, wi_ref[0])
        g = 0.5 * h * (1.0 + lax.erf(h * 0.7071067811865476))
        p = _dot_t_bf(g, wo_ref[0])
        out_ref[0] += p * scale_ref[0][:, 0:1]


def _expert_mlp(disp9, wi, wo, sslot9):
    return pl.pallas_call(
        _k5_body,
        grid=(E + 1, NFB),
        in_specs=[
            pl.BlockSpec((1, CAP, D), lambda e, f: (e, 0, 0)),
            pl.BlockSpec((1, FB, D), lambda e, f: (jnp.minimum(e, E - 1), f, 0)),
            pl.BlockSpec((1, D, FB), lambda e, f: (jnp.minimum(e, E - 1), 0, f)),
            pl.BlockSpec((1, CAP, EP), lambda e, f: (e, 0, 0)),
        ],
        out_specs=pl.BlockSpec((1, CAP, D), lambda e, f: (e, 0, 0)),
        out_shape=jax.ShapeDtypeStruct((E + 1, CAP, D), jnp.float32),
    )(disp9, wi, wo, sslot9)


def _k6_body(x_ref, moe_ref, out_ref):
    out_ref[...] = x_ref[...] + moe_ref[...]


def _residual_add(x, moe):
    return pl.pallas_call(
        _k6_body,
        grid=(NB,),
        in_specs=[
            pl.BlockSpec((BS, D), lambda i: (i, 0)),
            pl.BlockSpec((BS, D), lambda i: (i, 0)),
        ],
        out_specs=pl.BlockSpec((BS, D), lambda i: (i, 0)),
        out_shape=jax.ShapeDtypeStruct((S, D), jnp.float32),
    )(x, moe)


def _rope_tables():
    inv = 1.0 / (10000.0 ** (np.arange(0, D, 2, dtype=np.float64) / D))
    pos = np.arange(S, dtype=np.float64)
    fr = pos[:, None] * inv[None, :]
    cos = np.asarray(np.cos(fr), np.float32)
    sin = np.asarray(np.sin(fr), np.float32)
    cc = np.repeat(cos, 2, axis=1)
    ss = np.repeat(sin, 2, axis=1)
    ss[:, 0::2] *= -1.0
    return cc, ss


_CC, _SS = _rope_tables()
_TRIL = np.tril(np.ones((BS, BS), np.float32))


def kernel(query, key, value, norm1_g, norm1_b, norm2_g, norm2_b, in_proj_w,
           in_proj_b, out_proj_w, out_proj_b, router_w, wi, wo):
    q2 = query[:, 0, :]
    k2 = key[:, 0, :]
    v2 = value[:, 0, :]

    w_in3 = in_proj_w.reshape(1, 3 * D, D)
    bias3 = in_proj_b.reshape(1, 3, D)

    qkv = _qkv_proj(q2, k2, v2, _CC, _SS, norm1_g.reshape(1, D),
                    norm1_b.reshape(1, D), w_in3, bias3)
    ctx = _attention(qkv[0], qkv[1], qkv[2])

    rw_pad = jnp.zeros((EP, D), jnp.float32).at[:E].set(router_w)
    x, xn, lg128, mask128, scale128, slot128 = _post_attn(
        ctx, q2, out_proj_w, out_proj_b.reshape(1, D),
        norm2_g.reshape(1, D), norm2_b.reshape(1, D), rw_pad, _TRIL)
    slots = slot128[:, 0]

    disp, sslot = _sc_dispatch(xn, scale128, slots)
    dout9 = _expert_mlp(disp.reshape(E + 1, CAP, D), wi, wo,
                        sslot.reshape(E + 1, CAP, EP))
    moe = _sc_combine(dout9.reshape(NSLOTP, D), slots)
    out = _residual_add(x, moe)

    return (out.reshape(S, 1, D),
            lg128[:, :E].reshape(S, 1, E),
            mask128[:, :E].reshape(S, 1, E))

# --- scband reference (transcript-rebuilt; emitter-appended) ---
"""Pipeline reference for scband-sparse-roformer-layer-56160992362953 (READ-ONLY COPY).

The authoritative reference and input builder live on the scoring server;
editing this copy changes nothing except your own understanding.
"""

import jax, jax.numpy as jnp
import numpy as np

S = 2048; B = 1; D = 768; H = 12; F = 3072; E = 8; CAP = 512; EPS = 1e-5; DH = D // H


def _layer_norm(x, g, b):
    m = jnp.mean(x, axis=-1, keepdims=True)
    v = jnp.var(x, axis=-1, keepdims=True)
    return (x - m) / jnp.sqrt(v + EPS) * g + b


def _rope(x):
    inv = 1.0 / (10000.0 ** (np.arange(0, D, 2, dtype=np.float64) / D))
    pos = np.arange(S, dtype=np.float64)
    fr = pos[:, None] * inv[None, :]
    cos = jnp.asarray(np.cos(fr), jnp.float32)[:, None, :]
    sin = jnp.asarray(np.sin(fr), jnp.float32)[:, None, :]
    x1 = x[..., 0::2]; x2 = x[..., 1::2]
    o1 = x1 * cos - x2 * sin
    o2 = x1 * sin + x2 * cos
    return jnp.stack([o1, o2], axis=-1).reshape(x.shape)


def _mha(q, k, v, w_in, b_in, w_out, b_out):
    wq, wk, wv = w_in[:D], w_in[D:2 * D], w_in[2 * D:]
    bq, bk, bv = b_in[:D], b_in[D:2 * D], b_in[2 * D:]
    def proj(t, w, b):
        p = t @ w.T + b
        return p.reshape(S, B, H, DH).transpose(1, 2, 0, 3)
    qp = proj(q, wq, bq); kp = proj(k, wk, bk); vp = proj(v, wv, bv)
    scores = qp @ kp.transpose(0, 1, 3, 2) / float(np.sqrt(DH))
    att = jax.nn.softmax(scores, axis=-1)
    out = (att @ vp).transpose(2, 0, 1, 3).reshape(S, B, D)
    return out @ w_out.T + b_out


def _forward(query, key, value, norm1_g, norm1_b, norm2_g, norm2_b, in_proj_w, in_proj_b, out_proj_w, out_proj_b, router_w, wi, wo):
    qn = _layer_norm(query, norm1_g, norm1_b)
    kn = _layer_norm(key, norm1_g, norm1_b)
    vn = _layer_norm(value, norm1_g, norm1_b)
    qr = _rope(qn); kr = _rope(kn); vr = _rope(vn)
    att = _mha(qr, kr, vr, in_proj_w, in_proj_b, out_proj_w, out_proj_b)
    x = query + att
    residual = x
    xn = _layer_norm(x, norm2_g, norm2_b)
    # TopKRouter (top_k=1, Switch-style with expert capacity, router_dtype=float32, no jitter)
    logits = xn.astype(jnp.float32) @ router_w.T  # (S, B, E)
    probs = jax.nn.softmax(logits, axis=-1)
    top_prob = jnp.max(probs, axis=-1)
    expert_idx = jnp.argmax(probs, axis=-1)
    one_hot = jax.nn.one_hot(expert_idx, E, dtype=jnp.float32)
    pos_in_expert = jnp.cumsum(one_hot, axis=0) * one_hot
    within = (pos_in_expert <= CAP).astype(jnp.float32)
    expert_mask = one_hot * within * top_prob[..., None]
    # SparseMLP: expert outputs scattered back to token positions then scaled by expert_mask;
    # experts are per-token, so masked-dense computation is mathematically identical.
    moe = jnp.zeros_like(xn)
    for e in range(E):
        h = jax.nn.gelu(xn @ wi[e].T, approximate=False) @ wo[e].T
        moe = moe + h * expert_mask[..., e:e + 1]
    out = residual + moe
    return out, logits, expert_mask


def setup_inputs():
    rng = jax.random.key(0)
    ks = jax.random.split(rng, 8)
    s = 0.02
    return {
        "query": jax.random.normal(ks[0], (S, B, D), jnp.float32),
        "key": jax.random.normal(ks[1], (S, B, D), jnp.float32),
        "value": jax.random.normal(ks[2], (S, B, D), jnp.float32),
        "norm1_g": jnp.ones((D,), jnp.float32),
        "norm1_b": jnp.zeros((D,), jnp.float32),
        "norm2_g": jnp.ones((D,), jnp.float32),
        "norm2_b": jnp.zeros((D,), jnp.float32),
        "in_proj_w": jax.random.normal(ks[3], (3 * D, D), jnp.float32) * s,
        "in_proj_b": jnp.zeros((3 * D,), jnp.float32),
        "out_proj_w": jax.random.normal(ks[4], (D, D), jnp.float32) * s,
        "out_proj_b": jnp.zeros((D,), jnp.float32),
        "router_w": jax.random.normal(ks[5], (E, D), jnp.float32) * s,
        "wi": jax.random.normal(ks[6], (E, F, D), jnp.float32) * s,
        "wo": jax.random.normal(ks[7], (E, D, F), jnp.float32) * s,
    }


def reference(query, key, value, norm1_g, norm1_b, norm2_g, norm2_b, in_proj_w, in_proj_b, out_proj_w, out_proj_b, router_w, wi, wo):
    return _forward(query, key, value, norm1_g, norm1_b, norm2_g, norm2_b, in_proj_w, in_proj_b, out_proj_w, out_proj_b, router_w, wi, wo)

if __name__ == "__main__":
    import jax
    _d = setup_inputs()
    print(jax.jit(kernel)(*tuple(_d.values())))

</pallas_src>

<mosaic_0001>
#map = affine_map<(d0, d1) -> (0, 0)>
#map1 = affine_map<(d0, d1) -> (0)>
module attributes {stable_mosaic.version = 14 : i64} {
  func.func @body(%arg0: i32, %arg1: i32, %arg2: memref<4608x768xf32, #tpu.memory_space<hbm>>, %arg3: memref<2048xi32, #tpu.memory_space<hbm>>, %arg4: memref<2048x768xf32, #tpu.memory_space<hbm>>, %arg5: memref<64xi32, #tpu.memory_space<vmem>>, %arg6: memref<64x768xf32, #tpu.memory_space<vmem>>, %arg7: memref<!tpu.dma_semaphore, #tpu.memory_space<semaphore_mem>>) attributes {dimension_semantics = [#tpu.dimension_semantics<core_parallel>, #tpu.dimension_semantics<subcore_parallel>], iteration_bounds = array<i64: 2, 16>, scalar_prefetch = 0 : i64, scratch_operands = 3 : i64, tpu.core_type = #tpu.core_type<sc_vector_subcore>, window_params = [{transform_indices = #map}, {transform_indices = #map1}, {transform_indices = #map}]} {
    %mul3A = arith.constant 2 : i32
    %mul3A_0 = arith.muli %arg1, %mul3A : i32
    %add3A = arith.addi %mul3A_0, %arg0 : i32
    %mul3A_1 = arith.constant 64 : i32
    %mul3A_2 = arith.muli %add3A, %mul3A_1 : i32
    "tpu.region"() ({
      %run_scoped3A = tpu.sem_alloc : memref<!tpu.dma_semaphore, #tpu.memory_space<semaphore_mem>>
      %dma_start3A_7 = tpu.memref_slice %arg3[%mul3A_2] : memref<2048xi32, #tpu.memory_space<hbm>> -> memref<64xi32, #tpu.memory_space<hbm>>
      %dma_start3A_8 = tpu.memref_slice %arg3[%mul3A_2] : memref<2048xi32, #tpu.memory_space<hbm>> -> memref<64xi32, #tpu.memory_space<hbm>>
      tpu.enqueue_dma source(%dma_start3A_8 : memref<64xi32, #tpu.memory_space<hbm>>) target(%arg5 : memref<64xi32, #tpu.memory_space<vmem>>) target_semaphore(%run_scoped3A : memref<!tpu.dma_semaphore, #tpu.memory_space<semaphore_mem>>)
      %dma_wait3A_9 = tpu.memref_slice %arg3[%mul3A_2] : memref<2048xi32, #tpu.memory_space<hbm>> -> memref<64xi32, #tpu.memory_space<hbm>>
      %dma_wait3A_10 = tpu.memref_slice %arg3[%mul3A_2] : memref<2048xi32, #tpu.memory_space<hbm>> -> memref<64xi32, #tpu.memory_space<hbm>>
      tpu.wait_dma2 semaphore(%run_scoped3A : memref<!tpu.dma_semaphore, #tpu.memory_space<semaphore_mem>>) src(%dma_wait3A_10 : memref<64xi32, #tpu.memory_space<hbm>>) dst(%arg5 : memref<64xi32, #tpu.memory_space<vmem>>)
      tpu.yield
    }) : () -> ()
    %dma_start3A = arith.constant 0 : i32
    %dma_start3A_3 = arith.constant 0 : i32
    %dma_start3A_4 = tpu.memref_slice %arg2[%dma_start3A, %dma_start3A_3] : memref<4608x768xf32, #tpu.memory_space<hbm>> -> memref<4608x768xf32, #tpu.memory_space<hbm>>
    tpu.enqueue_indirect_dma source(%dma_start3A_4 : memref<4608x768xf32, #tpu.memory_space<hbm>>) target(%arg6 : memref<64x768xf32, #tpu.memory_space<vmem>>) offsets(%arg5 : memref<64xi32, #tpu.memory_space<vmem>>) semaphore(%arg7 : memref<!tpu.dma_semaphore, #tpu.memory_space<semaphore_mem>>)
    %dma_wait3A = arith.constant 0 : i32
    %dma_wait3A_5 = arith.constant 0 : i32
    %dma_wait3A_6 = tpu.memref_slice %arg2[%dma_wait3A, %dma_wait3A_5] : memref<4608x768xf32, #tpu.memory_space<hbm>> -> memref<4608x768xf32, #tpu.memory_space<hbm>>
    tpu.wait_indirect_dma semaphore(%arg7 : memref<!tpu.dma_semaphore, #tpu.memory_space<semaphore_mem>>) src(%dma_wait3A_6 : memref<4608x768xf32, #tpu.memory_space<hbm>>) dst(%arg6 : memref<64x768xf32, #tpu.memory_space<vmem>>)
    "tpu.region"() ({
      %run_scoped3A = tpu.sem_alloc : memref<!tpu.dma_semaphore, #tpu.memory_space<semaphore_mem>>
      %dma_start3A_7 = arith.constant 0 : i32
      %dma_start3A_8 = tpu.memref_slice %arg4[%mul3A_2, %dma_start3A_7] : memref<2048x768xf32, #tpu.memory_space<hbm>> -> memref<64x768xf32, #tpu.memory_space<hbm>>
      %dma_start3A_9 = arith.constant 0 : i32
      %dma_start3A_10 = tpu.memref_slice %arg4[%mul3A_2, %dma_start3A_9] : memref<2048x768xf32, #tpu.memory_space<hbm>> -> memref<64x768xf32, #tpu.memory_space<hbm>>
      tpu.enqueue_dma source(%arg6 : memref<64x768xf32, #tpu.memory_space<vmem>>) target(%dma_start3A_10 : memref<64x768xf32, #tpu.memory_space<hbm>>) target_semaphore(%run_scoped3A : memref<!tpu.dma_semaphore, #tpu.memory_space<semaphore_mem>>)
      %dma_wait3A_11 = arith.constant 0 : i32
      %dma_wait3A_12 = tpu.memref_slice %arg4[%mul3A_2, %dma_wait3A_11] : memref<2048x768xf32, #tpu.memory_space<hbm>> -> memref<64x768xf32, #tpu.memory_space<hbm>>
      %dma_wait3A_13 = arith.constant 0 : i32
      %dma_wait3A_14 = tpu.memref_slice %arg4[%mul3A_2, %dma_wait3A_13] : memref<2048x768xf32, #tpu.memory_space<hbm>> -> memref<64x768xf32, #tpu.memory_space<hbm>>
      tpu.wait_dma2 semaphore(%run_scoped3A : memref<!tpu.dma_semaphore, #tpu.memory_space<semaphore_mem>>) src(%arg6 : memref<64x768xf32, #tpu.memory_space<vmem>>) dst(%dma_wait3A_14 : memref<64x768xf32, #tpu.memory_space<hbm>>)
      tpu.yield
    }) : () -> ()
    return
  }
}

#map = affine_map<(d0, d1) -> (0, 0)>
#map1 = affine_map<(d0, d1) -> (0)>
module attributes {stable_mosaic.version = 14 : i64} {
  func.func @body(%arg0: i32, %arg1: i32, %arg2: memref<2048x768xf32, #tpu.memory_space<hbm>>, %arg3: memref<2048x128xf32, #tpu.memory_space<hbm>>, %arg4: memref<2048xi32, #tpu.memory_space<hbm>>, %arg5: memref<4608x768xf32, #tpu.memory_space<hbm>>, %arg6: memref<4608x128xf32, #tpu.memory_space<hbm>>, %arg7: memref<64xi32, #tpu.memory_space<vmem>>, %arg8: memref<64x768xf32, #tpu.memory_space<vmem>>, %arg9: memref<64x128xf32, #tpu.memory_space<vmem>>, %arg10: memref<!tpu.dma_semaphore, #tpu.memory_space<semaphore_mem>>, %arg11: memref<!tpu.dma_semaphore, #tpu.memory_space<semaphore_mem>>) attributes {dimension_semantics = [#tpu.dimension_semantics<core_parallel>, #tpu.dimension_semantics<subcore_parallel>], iteration_bounds = array<i64: 2, 16>, scalar_prefetch = 0 : i64, scratch_operands = 5 : i64, tpu.core_type = #tpu.core_type<sc_vector_subcore>, window_params = [{transform_indices = #map}, {transform_indices = #map}, {transform_indices = #map1}, {transform_indices = #map}, {transform_indices = #map}]} {
    %mul3A = arith.constant 2 : i32
    %mul3A_0 = arith.muli %arg1, %mul3A : i32
    %add3A = arith.addi %mul3A_0, %arg0 : i32
    %mul3A_1 = arith.constant 64 : i32
    %mul3A_2 = arith.muli %add3A, %mul3A_1 : i32
    "tpu.region"() ({
      %run_scoped3A = tpu.sem_alloc : memref<!tpu.dma_semaphore, #tpu.memory_space<semaphore_mem>>
      %dma_start3A_13 = tpu.memref_slice %arg4[%mul3A_2] : memref<2048xi32, #tpu.memory_space<hbm>> -> memref<64xi32, #tpu.memory_space<hbm>>
      %dma_start3A_14 = tpu.memref_slice %arg4[%mul3A_2] : memref<2048xi32, #tpu.memory_space<hbm>> -> memref<64xi32, #tpu.memory_space<hbm>>
      tpu.enqueue_dma source(%dma_start3A_14 : memref<64xi32, #tpu.memory_space<hbm>>) target(%arg7 : memref<64xi32, #tpu.memory_space<vmem>>) target_semaphore(%run_scoped3A : memref<!tpu.dma_semaphore, #tpu.memory_space<semaphore_mem>>)
      %dma_wait3A_15 = tpu.memref_slice %arg4[%mul3A_2] : memref<2048xi32, #tpu.memory_space<hbm>> -> memref<64xi32, #tpu.memory_space<hbm>>
      %dma_wait3A_16 = tpu.memref_slice %arg4[%mul3A_2] : memref<2048xi32, #tpu.memory_space<hbm>> -> memref<64xi32, #tpu.memory_space<hbm>>
      tpu.wait_dma2 semaphore(%run_scoped3A : memref<!tpu.dma_semaphore, #tpu.memory_space<semaphore_mem>>) src(%dma_wait3A_16 : memref<64xi32, #tpu.memory_space<hbm>>) dst(%arg7 : memref<64xi32, #tpu.memory_space<vmem>>)
      tpu.yield
    }) : () -> ()
    "tpu.region"() ({
      %run_scoped3A = tpu.sem_alloc : memref<!tpu.dma_semaphore, #tpu.memory_space<semaphore_mem>>
      %dma_start3A_13 = arith.constant 0 : i32
      %dma_start3A_14 = tpu.memref_slice %arg2[%mul3A_2, %dma_start3A_13] : memref<2048x768xf32, #tpu.memory_space<hbm>> -> memref<64x768xf32, #tpu.memory_space<hbm>>
      %dma_start3A_15 = arith.constant 0 : i32
      %dma_start3A_16 = tpu.memref_slice %arg2[%mul3A_2, %dma_start3A_15] : memref<2048x768xf32, #tpu.memory_space<hbm>> -> memref<64x768xf32, #tpu.memory_space<hbm>>
      tpu.enqueue_dma source(%dma_start3A_16 : memref<64x768xf32, #tpu.memory_space<hbm>>) target(%arg8 : memref<64x768xf32, #tpu.memory_space<vmem>>) target_semaphore(%run_scoped3A : memref<!tpu.dma_semaphore, #tpu.memory_space<semaphore_mem>>)
      %dma_wait3A_17 = arith.constant 0 : i32
      %dma_wait3A_18 = tpu.memref_slice %arg2[%mul3A_2, %dma_wait3A_17] : memref<2048x768xf32, #tpu.memory_space<hbm>> -> memref<64x768xf32, #tpu.memory_space<hbm>>
      %dma_wait3A_19 = arith.constant 0 : i32
      %dma_wait3A_20 = tpu.memref_slice %arg2[%mul3A_2, %dma_wait3A_19] : memref<2048x768xf32, #tpu.memory_space<hbm>> -> memref<64x768xf32, #tpu.memory_space<hbm>>
      tpu.wait_dma2 semaphore(%run_scoped3A : memref<!tpu.dma_semaphore, #tpu.memory_space<semaphore_mem>>) src(%dma_wait3A_20 : memref<64x768xf32, #tpu.memory_space<hbm>>) dst(%arg8 : memref<64x768xf32, #tpu.memory_space<vmem>>)
      tpu.yield
    }) : () -> ()
    "tpu.region"() ({
      %run_scoped3A = tpu.sem_alloc : memref<!tpu.dma_semaphore, #tpu.memory_space<semaphore_mem>>
      %dma_start3A_13 = arith.constant 0 : i32
      %dma_start3A_14 = tpu.memref_slice %arg3[%mul3A_2, %dma_start3A_13] : memref<2048x128xf32, #tpu.memory_space<hbm>> -> memref<64x128xf32, #tpu.memory_space<hbm>>
      %dma_start3A_15 = arith.constant 0 : i32
      %dma_start3A_16 = tpu.memref_slice %arg3[%mul3A_2, %dma_start3A_15] : memref<2048x128xf32, #tpu.memory_space<hbm>> -> memref<64x128xf32, #tpu.memory_space<hbm>>
      tpu.enqueue_dma source(%dma_start3A_16 : memref<64x128xf32, #tpu.memory_space<hbm>>) target(%arg9 : memref<64x128xf32, #tpu.memory_space<vmem>>) target_semaphore(%run_scoped3A : memref<!tpu.dma_semaphore, #tpu.memory_space<semaphore_mem>>)
      %dma_wait3A_17 = arith.constant 0 : i32
      %dma_wait3A_18 = tpu.memref_slice %arg3[%mul3A_2, %dma_wait3A_17] : memref<2048x128xf32, #tpu.memory_space<hbm>> -> memref<64x128xf32, #tpu.memory_space<hbm>>
      %dma_wait3A_19 = arith.constant 0 : i32
      %dma_wait3A_20 = tpu.memref_slice %arg3[%mul3A_2, %dma_wait3A_19] : memref<2048x128xf32, #tpu.memory_space<hbm>> -> memref<64x128xf32, #tpu.memory_space<hbm>>
      tpu.wait_dma2 semaphore(%run_scoped3A : memref<!tpu.dma_semaphore, #tpu.memory_space<semaphore_mem>>) src(%dma_wait3A_20 : memref<64x128xf32, #tpu.memory_space<hbm>>) dst(%arg9 : memref<64x128xf32, #tpu.memory_space<vmem>>)
      tpu.yield
    }) : () -> ()
    %dma_start3A = arith.constant 0 : i32
    %dma_start3A_3 = arith.constant 0 : i32
    %dma_start3A_4 = tpu.memref_slice %arg5[%dma_start3A, %dma_start3A_3] : memref<4608x768xf32, #tpu.memory_space<hbm>> -> memref<4608x768xf32, #tpu.memory_space<hbm>>
    tpu.enqueue_indirect_dma source(%arg8 : memref<64x768xf32, #tpu.memory_space<vmem>>) target(%dma_start3A_4 : memref<4608x768xf32, #tpu.memory_space<hbm>>) offsets(%arg7 : memref<64xi32, #tpu.memory_space<vmem>>) semaphore(%arg10 : memref<!tpu.dma_semaphore, #tpu.memory_space<semaphore_mem>>)
    %dma_start3A_5 = arith.constant 0 : i32
    %dma_start3A_6 = arith.constant 0 : i32
    %dma_start3A_7 = tpu.memref_slice %arg6[%dma_start3A_5, %dma_start3A_6] : memref<4608x128xf32, #tpu.memory_space<hbm>> -> memref<4608x128xf32, #tpu.memory_space<hbm>>
    tpu.enqueue_indirect_dma source(%arg9 : memref<64x128xf32, #tpu.memory_space<vmem>>) target(%dma_start3A_7 : memref<4608x128xf32, #tpu.memory_space<hbm>>) offsets(%arg7 : memref<64xi32, #tpu.memory_space<vmem>>) semaphore(%arg11 : memref<!tpu.dma_semaphore, #tpu.memory_space<semaphore_mem>>)
    %dma_wait3A = arith.constant 0 : i32
    %dma_wait3A_8 = arith.constant 0 : i32
    %dma_wait3A_9 = tpu.memref_slice %arg5[%dma_wait3A, %dma_wait3A_8] : memref<4608x768xf32, #tpu.memory_space<hbm>> -> memref<4608x768xf32, #tpu.memory_space<hbm>>
    tpu.wait_indirect_dma semaphore(%arg10 : memref<!tpu.dma_semaphore, #tpu.memory_space<semaphore_mem>>) src(%arg8 : memref<64x768xf32, #tpu.memory_space<vmem>>) dst(%dma_wait3A_9 : memref<4608x768xf32, #tpu.memory_space<hbm>>)
    %dma_wait3A_10 = arith.constant 0 : i32
    %dma_wait3A_11 = arith.constant 0 : i32
    %dma_wait3A_12 = tpu.memref_slice %arg6[%dma_wait3A_10, %dma_wait3A_11] : memref<4608x128xf32, #tpu.memory_space<hbm>> -> memref<4608x128xf32, #tpu.memory_space<hbm>>
    tpu.wait_indirect_dma semaphore(%arg11 : memref<!tpu.dma_semaphore, #tpu.memory_space<semaphore_mem>>) src(%arg9 : memref<64x128xf32, #tpu.memory_space<vmem>>) dst(%dma_wait3A_12 : memref<4608x128xf32, #tpu.memory_space<hbm>>)
    return
  }
}

module attributes {stable_mosaic.version = 14 : i64} {
  func.func @_k1_body(%arg0: i32, %arg1: memref<512x768xf32, #tpu.memory_space<vmem>>, %arg2: memref<512x768xf32, #tpu.memory_space<vmem>>, %arg3: memref<512x768xf32, #tpu.memory_space<vmem>>, %arg4: memref<512x768xf32, #tpu.memory_space<vmem>>, %arg5: memref<512x768xf32, #tpu.memory_space<vmem>>, %arg6: memref<1x768xf32, #tpu.memory_space<vmem>>, %arg7: memref<1x768xf32, #tpu.memory_space<vmem>>, %arg8: memref<1x2304x768xf32, #tpu.memory_space<vmem>>, %arg9: memref<1x3x768xf32, #tpu.memory_space<vmem>>, %arg10: memref<512x768xf32, #tpu.memory_space<vmem>>, %arg11: memref<512x768xf32, #tpu.memory_space<vmem>>, %arg12: memref<512x768xf32, #tpu.memory_space<vmem>>) attributes {dimension_semantics = [#tpu.dimension_semantics<arbitrary>], iteration_bounds = array<i64: 4>, scalar_prefetch = 0 : i64, scratch_operands = 0 : i64, tpu.core_type = #tpu.core_type<tc>, window_params = [{transform_indices = @transform_0, window_bounds = array<i64: 512, 768>}, {transform_indices = @transform_1, window_bounds = array<i64: 512, 768>}, {transform_indices = @transform_2, window_bounds = array<i64: 512, 768>}, {transform_indices = @transform_3, window_bounds = array<i64: 512, 768>}, {transform_indices = @transform_4, window_bounds = array<i64: 512, 768>}, {pipeline_mode = #tpu.pipeline_mode<synchronous>, transform_indices = @transform_5, window_bounds = array<i64: 1, 768>}, {pipeline_mode = #tpu.pipeline_mode<synchronous>, transform_indices = @transform_6, window_bounds = array<i64: 1, 768>}, {pipeline_mode = #tpu.pipeline_mode<synchronous>, transform_indices = @transform_7, window_bounds = array<i64: 1, 2304, 768>}, {pipeline_mode = #tpu.pipeline_mode<synchronous>, transform_indices = @transform_8, window_bounds = array<i64: 1, 3, 768>}, {transform_indices = @transform_9, window_bounds = array<i64: 512, 768>}, {transform_indices = @transform_10, window_bounds = array<i64: 512, 768>}, {transform_indices = @transform_11, window_bounds = array<i64: 512, 768>}]} {
    %get3A = arith.constant 0 : index
    %get3A_0 = arith.constant 0 : index
    %get3A_1 = vector.load %arg4[%get3A, %get3A_0] : memref<512x768xf32, #tpu.memory_space<vmem>>, vector<512x768xf32>
    %get3A_2 = arith.constant 0 : index
    %get3A_3 = arith.constant 0 : index
    %get3A_4 = vector.load %arg5[%get3A_2, %get3A_3] : memref<512x768xf32, #tpu.memory_space<vmem>>, vector<512x768xf32>
    %get3A_5 = arith.constant 0 : index
    %get3A_6 = arith.constant 0 : index
    %get3A_7 = vector.load %arg6[%get3A_5, %get3A_6] : memref<1x768xf32, #tpu.memory_space<vmem>>, vector<1x768xf32>
    %get3A_8 = arith.constant 0 : index
    %get3A_9 = arith.constant 0 : index
    %get3A_10 = vector.load %arg7[%get3A_8, %get3A_9] : memref<1x768xf32, #tpu.memory_space<vmem>>, vector<1x768xf32>
    %iota3A = tpu.iota {dimensions = array<i32: 1>} : vector<512x768xi32>
    %jit3A = arith.constant 2 : i32
    %eq3A = arith.constant 0 : i32
    %eq3A_11 = arith.cmpi eq, %jit3A, %eq3A : i32
    %jit3A_12 = arith.constant 1 : i32
    %select_n3A = arith.select %eq3A_11, %jit3A_12, %jit3A : i32
    %rem3A = vector.broadcast %select_n3A : i32 to vector<512x768xi32>
    %rem3A_13 = arith.remsi %iota3A, %rem3A : vector<512x768xi32>
    %ne3A = arith.constant 0 : i32
    %ne3A_14 = vector.broadcast %ne3A : i32 to vector<512x768xi32>
    %ne3A_15 = arith.cmpi ne, %rem3A_13, %ne3A_14 : vector<512x768xi32>
    %lt3A = arith.constant 0 : i32
    %lt3A_16 = vector.broadcast %lt3A : i32 to vector<512x768xi32>
    %lt3A_17 = arith.cmpi slt, %rem3A_13, %lt3A_16 : vector<512x768xi32>
    %lt3A_18 = arith.constant 0 : i32
    %lt3A_19 = arith.cmpi slt, %select_n3A, %lt3A_18 : i32
    %ne3A_20 = vector.broadcast %lt3A_19 : i1 to vector<512x768xi1>
    %ne3A_21 = vector.broadcast %ne3A_20 : vector<512x768xi1> to vector<512x768xi1>
    %ne3A_22 = arith.xori %lt3A_17, %ne3A_21 : vector<512x768xi1>
    %and3A = arith.andi %ne3A_22, %ne3A_15 : vector<512x768xi1>
    %add3A = vector.broadcast %select_n3A : i32 to vector<512x768xi32>
    %add3A_23 = arith.addi %rem3A_13, %add3A : vector<512x768xi32>
    %select_n3A_24 = arith.select %and3A, %add3A_23, %rem3A_13 : vector<512x768xi1>, vector<512x768xi32>
    %eq3A_25 = arith.constant 0 : i32
    %eq3A_26 = vector.broadcast %eq3A_25 : i32 to vector<512x768xi32>
    %eq3A_27 = arith.cmpi eq, %select_n3A_24, %eq3A_26 : vector<512x768xi32>
    %get3A_28 = arith.constant 0 : index
    %get3A_29 = arith.constant 0 : index
    %get3A_30 = vector.load %arg1[%get3A_28, %get3A_29] : memref<512x768xf32, #tpu.memory_space<vmem>>, vector<512x768xf32>
    %reduce_sum3A = arith.constant dense<0.000000e+00> : vector<512xf32>
    %reduce_sum3A_31 = vector.multi_reduction <add>, %get3A_30, %reduce_sum3A [1] : vector<512x768xf32> to vector<512xf32>
    %broadcast_in_dim3A = vector.shape_cast %reduce_sum3A_31 : vector<512xf32> to vector<512x1xf32>
    %div3A = arith.constant 7.680000e+02 : f32
    %div3A_32 = vector.broadcast %div3A : f32 to vector<512x1xf32>
    %div3A_33 = arith.divf %broadcast_in_dim3A, %div3A_32 : vector<512x1xf32>
    %sub3A = vector.broadcast %div3A_33 : vector<512x1xf32> to vector<512x768xf32>
    %sub3A_34 = arith.subf %get3A_30, %sub3A : vector<512x768xf32>
    %mul3A = arith.mulf %sub3A_34, %sub3A_34 : vector<512x768xf32>
    %reduce_sum3A_35 = arith.constant dense<0.000000e+00> : vector<512xf32>
    %reduce_sum3A_36 = vector.multi_reduction <add>, %mul3A, %reduce_sum3A_35 [1] : vector<512x768xf32> to vector<512xf32>
    %broadcast_in_dim3A_37 = vector.shape_cast %reduce_sum3A_36 : vector<512xf32> to vector<512x1xf32>
    %div3A_38 = arith.constant 7.680000e+02 : f32
    %div3A_39 = vector.broadcast %div3A_38 : f32 to vector<512x1xf32>
    %div3A_40 = arith.divf %broadcast_in_dim3A_37, %div3A_39 : vector<512x1xf32>
    %add3A_41 = arith.constant 9.99999974E-6 : f32
    %add3A_42 = vector.broadcast %add3A_41 : f32 to vector<512x1xf32>
    %add3A_43 = arith.addf %div3A_40, %add3A_42 : vector<512x1xf32>
    %sqrt3A = math.sqrt %add3A_43 : vector<512x1xf32>
    %div3A_44 = vector.broadcast %sqrt3A : vector<512x1xf32> to vector<512x768xf32>
    %div3A_45 = arith.divf %sub3A_34, %div3A_44 : vector<512x768xf32>
    %mul3A_46 = vector.broadcast %get3A_7 : vector<1x768xf32> to vector<512x768xf32>
    %mul3A_47 = arith.mulf %div3A_45, %mul3A_46 : vector<512x768xf32>
    %add3A_48 = vector.broadcast %get3A_10 : vector<1x768xf32> to vector<512x768xf32>
    %add3A_49 = arith.addf %mul3A_47, %add3A_48 : vector<512x768xf32>
    %roll3A = arith.constant 767 : i32
    %roll3A_50 = tpu.dynamic_rotate %add3A_49 by %roll3A dim 1 : vector<512x768xf32>, i32 -> vector<512x768xf32>
    %roll3A_51 = arith.constant 1 : i32
    %roll3A_52 = tpu.dynamic_rotate %add3A_49 by %roll3A_51 dim 1 : vector<512x768xf32>, i32 -> vector<512x768xf32>
    %select_n3A_53 = arith.select %eq3A_27, %roll3A_50, %roll3A_52 : vector<512x768xi1>, vector<512x768xf32>
    %mul3A_54 = arith.mulf %add3A_49, %get3A_1 : vector<512x768xf32>
    %mul3A_55 = arith.mulf %select_n3A_53, %get3A_4 : vector<512x768xf32>
    %add3A_56 = arith.addf %mul3A_54, %mul3A_55 : vector<512x768xf32>
    %get3A_57 = arith.constant 0 : index
    %get3A_58 = arith.constant 0 : index
    %get3A_59 = arith.constant 0 : index
    %get3A_60 = vector.load %arg8[%get3A_57, %get3A_58, %get3A_59] : memref<1x2304x768xf32, #tpu.memory_space<vmem>>, vector<1x768x768xf32>
    %get3A_61 = vector.shape_cast %get3A_60 : vector<1x768x768xf32> to vector<768x768xf32>
    %convert_element_type3A = arith.truncf %add3A_56 : vector<512x768xf32> to vector<512x768xbf16>
    %convert_element_type3A_62 = arith.truncf %get3A_61 : vector<768x768xf32> to vector<768x768xbf16>
    %dot_general3A = arith.constant dense<0.000000e+00> : vector<512x768xf32>
    %dot_general3A_63 = tpu.matmul %convert_element_type3A, %convert_element_type3A_62, %dot_general3A {dimension_numbers = #tpu.dot_dimension_numbers<[1], [1], [0], [0], [0, 0, 1, 0], [], []>, transpose_lhs_hint = false} : vector<512x768xbf16>, vector<768x768xbf16>, vector<512x768xf32> -> vector<512x768xf32>
    %get3A_64 = arith.constant 0 : index
    %get3A_65 = arith.constant 0 : index
    %get3A_66 = arith.constant 0 : index
    %get3A_67 = vector.load %arg9[%get3A_64, %get3A_65, %get3A_66] : memref<1x3x768xf32, #tpu.memory_space<vmem>>, vector<1x1x768xf32>
    %get3A_68 = vector.shape_cast %get3A_67 : vector<1x1x768xf32> to vector<1x768xf32>
    %add3A_69 = vector.broadcast %get3A_68 : vector<1x768xf32> to vector<512x768xf32>
    %add3A_70 = arith.addf %dot_general3A_63, %add3A_69 : vector<512x768xf32>
    %swap3A = arith.constant 0 : index
    %swap3A_71 = arith.constant 0 : index
    %swap3A_72 = vector.load %arg10[%swap3A, %swap3A_71] : memref<512x768xf32, #tpu.memory_space<vmem>>, vector<512x768xf32>
    tpu.vector_store %arg10[%swap3A, %swap3A_71], %add3A_70 {strides = array<i32>} : memref<512x768xf32, #tpu.memory_space<vmem>>, vector<512x768xf32>,
    %get3A_73 = arith.constant 0 : index
    %get3A_74 = arith.constant 0 : index
    %get3A_75 = vector.load %arg2[%get3A_73, %get3A_74] : memref<512x768xf32, #tpu.memory_space<vmem>>, vector<512x768xf32>
    %reduce_sum3A_76 = arith.constant dense<0.000000e+00> : vector<512xf32>
    %reduce_sum3A_77 = vector.multi_reduction <add>, %get3A_75, %reduce_sum3A_76 [1] : vector<512x768xf32> to vector<512xf32>
    %broadcast_in_dim3A_78 = vector.shape_cast %reduce_sum3A_77 : vector<512xf32> to vector<512x1xf32>
    %div3A_79 = arith.constant 7.680000e+02 : f32
    %div3A_80 = vector.broadcast %div3A_79 : f32 to vector<512x1xf32>
    %div3A_81 = arith.divf %broadcast_in_dim3A_78, %div3A_80 : vector<512x1xf32>
    %sub3A_82 = vector.broadcast %div3A_81 : vector<512x1xf32> to vector<512x768xf32>
    %sub3A_83 = arith.subf %get3A_75, %sub3A_82 : vector<512x768xf32>
    %mul3A_84 = arith.mulf %sub3A_83, %sub3A_83 : vector<512x768xf32>
    %reduce_sum3A_85 = arith.constant dense<0.000000e+00> : vector<512xf32>
    %reduce_sum3A_86 = vector.multi_reduction <add>, %mul3A_84, %reduce_sum3A_85 [1] : vector<512x768xf32> to vector<512xf32>
    %broadcast_in_dim3A_87 = vector.shape_cast %reduce_sum3A_86 : vector<512xf32> to vector<512x1xf32>
    %div3A_88 = arith.constant 7.680000e+02 : f32
    %div3A_89 = vector.broadcast %div3A_88 : f32 to vector<512x1xf32>
    %div3A_90 = arith.divf %broadcast_in_dim3A_87, %div3A_89 : vector<512x1xf32>
    %add3A_91 = arith.constant 9.99999974E-6 : f32
    %add3A_92 = vector.broadcast %add3A_91 : f32 to vector<512x1xf32>
    %add3A_93 = arith.addf %div3A_90, %add3A_92 : vector<512x1xf32>
    %sqrt3A_94 = math.sqrt %add3A_93 : vector<512x1xf32>
    %div3A_95 = vector.broadcast %sqrt3A_94 : vector<512x1xf32> to vector<512x768xf32>
    %div3A_96 = arith.divf %sub3A_83, %div3A_95 : vector<512x768xf32>
    %mul3A_97 = vector.broadcast %get3A_7 : vector<1x768xf32> to vector<512x768xf32>
    %mul3A_98 = arith.mulf %div3A_96, %mul3A_97 : vector<512x768xf32>
    %add3A_99 = vector.broadcast %get3A_10 : vector<1x768xf32> to vector<512x768xf32>
    %add3A_100 = arith.addf %mul3A_98, %add3A_99 : vector<512x768xf32>
    %roll3A_101 = arith.constant 767 : i32
    %roll3A_102 = tpu.dynamic_rotate %add3A_100 by %roll3A_101 dim 1 : vector<512x768xf32>, i32 -> vector<512x768xf32>
    %roll3A_103 = arith.constant 1 : i32
    %roll3A_104 = tpu.dynamic_rotate %add3A_100 by %roll3A_103 dim 1 : vector<512x768xf32>, i32 -> vector<512x768xf32>
    %select_n3A_105 = arith.select %eq3A_27, %roll3A_102, %roll3A_104 : vector<512x768xi1>, vector<512x768xf32>
    %mul3A_106 = arith.mulf %add3A_100, %get3A_1 : vector<512x768xf32>
    %mul3A_107 = arith.mulf %select_n3A_105, %get3A_4 : vector<512x768xf32>
    %add3A_108 = arith.addf %mul3A_106, %mul3A_107 : vector<512x768xf32>
    %get3A_109 = arith.constant 0 : index
    %get3A_110 = arith.constant 768 : index
    %get3A_111 = arith.constant 0 : index
    %get3A_112 = vector.load %arg8[%get3A_109, %get3A_110, %get3A_111] : memref<1x2304x768xf32, #tpu.memory_space<vmem>>, vector<1x768x768xf32>
    %get3A_113 = vector.shape_cast %get3A_112 : vector<1x768x768xf32> to vector<768x768xf32>
    %convert_element_type3A_114 = arith.truncf %add3A_108 : vector<512x768xf32> to vector<512x768xbf16>
    %convert_element_type3A_115 = arith.truncf %get3A_113 : vector<768x768xf32> to vector<768x768xbf16>
    %dot_general3A_116 = arith.constant dense<0.000000e+00> : vector<512x768xf32>
    %dot_general3A_117 = tpu.matmul %convert_element_type3A_114, %convert_element_type3A_115, %dot_general3A_116 {dimension_numbers = #tpu.dot_dimension_numbers<[1], [1], [0], [0], [0, 0, 1, 0], [], []>, transpose_lhs_hint = false} : vector<512x768xbf16>, vector<768x768xbf16>, vector<512x768xf32> -> vector<512x768xf32>
    %get3A_118 = arith.constant 0 : index
    %get3A_119 = arith.constant 1 : index
    %get3A_120 = arith.constant 0 : index
    %get3A_121 = vector.load %arg9[%get3A_118, %get3A_119, %get3A_120] : memref<1x3x768xf32, #tpu.memory_space<vmem>>, vector<1x1x768xf32>
    %get3A_122 = vector.shape_cast %get3A_121 : vector<1x1x768xf32> to vector<1x768xf32>
    %add3A_123 = vector.broadcast %get3A_122 : vector<1x768xf32> to vector<512x768xf32>
    %add3A_124 = arith.addf %dot_general3A_117, %add3A_123 : vector<512x768xf32>
    %swap3A_125 = arith.constant 0 : index
    %swap3A_126 = arith.constant 0 : index
    %swap3A_127 = vector.load %arg11[%swap3A_125, %swap3A_126] : memref<512x768xf32, #tpu.memory_space<vmem>>, vector<512x768xf32>
    tpu.vector_store %arg11[%swap3A_125, %swap3A_126], %add3A_124 {strides = array<i32>} : memref<512x768xf32, #tpu.memory_space<vmem>>, vector<512x768xf32>,
    %get3A_128 = arith.constant 0 : index
    %get3A_129 = arith.constant 0 : index
    %get3A_130 = vector.load %arg3[%get3A_128, %get3A_129] : memref<512x768xf32, #tpu.memory_space<vmem>>, vector<512x768xf32>
    %reduce_sum3A_131 = arith.constant dense<0.000000e+00> : vector<512xf32>
    %reduce_sum3A_132 = vector.multi_reduction <add>, %get3A_130, %reduce_sum3A_131 [1] : vector<512x768xf32> to vector<512xf32>
    %broadcast_in_dim3A_133 = vector.shape_cast %reduce_sum3A_132 : vector<512xf32> to vector<512x1xf32>
    %div3A_134 = arith.constant 7.680000e+02 : f32
    %div3A_135 = vector.broadcast %div3A_134 : f32 to vector<512x1xf32>
    %div3A_136 = arith.divf %broadcast_in_dim3A_133, %div3A_135 : vector<512x1xf32>
    %sub3A_137 = vector.broadcast %div3A_136 : vector<512x1xf32> to vector<512x768xf32>
    %sub3A_138 = arith.subf %get3A_130, %sub3A_137 : vector<512x768xf32>
    %mul3A_139 = arith.mulf %sub3A_138, %sub3A_138 : vector<512x768xf32>
    %reduce_sum3A_140 = arith.constant dense<0.000000e+00> : vector<512xf32>
    %reduce_sum3A_141 = vector.multi_reduction <add>, %mul3A_139, %reduce_sum3A_140 [1] : vector<512x768xf32> to vector<512xf32>
    %broadcast_in_dim3A_142 = vector.shape_cast %reduce_sum3A_141 : vector<512xf32> to vector<512x1xf32>
    %div3A_143 = arith.constant 7.680000e+02 : f32
    %div3A_144 = vector.broadcast %div3A_143 : f32 to vector<512x1xf32>
    %div3A_145 = arith.divf %broadcast_in_dim3A_142, %div3A_144 : vector<512x1xf32>
    %add3A_146 = arith.constant 9.99999974E-6 : f32
    %add3A_147 = vector.broadcast %add3A_146 : f32 to vector<512x1xf32>
    %add3A_148 = arith.addf %div3A_145, %add3A_147 : vector<512x1xf32>
    %sqrt3A_149 = math.sqrt %add3A_148 : vector<512x1xf32>
    %div3A_150 = vector.broadcast %sqrt3A_149 : vector<512x1xf32> to vector<512x768xf32>
    %div3A_151 = arith.divf %sub3A_138, %div3A_150 : vector<512x768xf32>
    %mul3A_152 = vector.broadcast %get3A_7 : vector<1x768xf32> to vector<512x768xf32>
    %mul3A_153 = arith.mulf %div3A_151, %mul3A_152 : vector<512x768xf32>
    %add3A_154 = vector.broadcast %get3A_10 : vector<1x768xf32> to vector<512x768xf32>
    %add3A_155 = arith.addf %mul3A_153, %add3A_154 : vector<512x768xf32>
    %roll3A_156 = arith.constant 767 : i32
    %roll3A_157 = tpu.dynamic_rotate %add3A_155 by %roll3A_156 dim 1 : vector<512x768xf32>, i32 -> vector<512x768xf32>
    %roll3A_158 = arith.constant 1 : i32
    %roll3A_159 = tpu.dynamic_rotate %add3A_155 by %roll3A_158 dim 1 : vector<512x768xf32>, i32 -> vector<512x768xf32>
    %select_n3A_160 = arith.select %eq3A_27, %roll3A_157, %roll3A_159 : vector<512x768xi1>, vector<512x768xf32>
    %mul3A_161 = arith.mulf %add3A_155, %get3A_1 : vector<512x768xf32>
    %mul3A_162 = arith.mulf %select_n3A_160, %get3A_4 : vector<512x768xf32>
    %add3A_163 = arith.addf %mul3A_161, %mul3A_162 : vector<512x768xf32>
    %get3A_164 = arith.constant 0 : index
    %get3A_165 = arith.constant 1536 : index
    %get3A_166 = arith.constant 0 : index
    %get3A_167 = vector.load %arg8[%get3A_164, %get3A_165, %get3A_166] : memref<1x2304x768xf32, #tpu.memory_space<vmem>>, vector<1x768x768xf32>
    %get3A_168 = vector.shape_cast %get3A_167 : vector<1x768x768xf32> to vector<768x768xf32>
    %convert_element_type3A_169 = arith.truncf %add3A_163 : vector<512x768xf32> to vector<512x768xbf16>
    %convert_element_type3A_170 = arith.truncf %get3A_168 : vector<768x768xf32> to vector<768x768xbf16>
    %dot_general3A_171 = arith.constant dense<0.000000e+00> : vector<512x768xf32>
    %dot_general3A_172 = tpu.matmul %convert_element_type3A_169, %convert_element_type3A_170, %dot_general3A_171 {dimension_numbers = #tpu.dot_dimension_numbers<[1], [1], [0], [0], [0, 0, 1, 0], [], []>, transpose_lhs_hint = false} : vector<512x768xbf16>, vector<768x768xbf16>, vector<512x768xf32> -> vector<512x768xf32>
    %get3A_173 = arith.constant 0 : index
    %get3A_174 = arith.constant 2 : index
    %get3A_175 = arith.constant 0 : index
    %get3A_176 = vector.load %arg9[%get3A_173, %get3A_174, %get3A_175] : memref<1x3x768xf32, #tpu.memory_space<vmem>>, vector<1x1x768xf32>
    %get3A_177 = vector.shape_cast %get3A_176 : vector<1x1x768xf32> to vector<1x768xf32>
    %add3A_178 = vector.broadcast %get3A_177 : vector<1x768xf32> to vector<512x768xf32>
    %add3A_179 = arith.addf %dot_general3A_172, %add3A_178 : vector<512x768xf32>
    %swap3A_180 = arith.constant 0 : index
    %swap3A_181 = arith.constant 0 : index
    %swap3A_182 = vector.load %arg12[%swap3A_180, %swap3A_181] : memref<512x768xf32, #tpu.memory_space<vmem>>, vector<512x768xf32>
    tpu.vector_store %arg12[%swap3A_180, %swap3A_181], %add3A_179 {strides = array<i32>} : memref<512x768xf32, #tpu.memory_space<vmem>>, vector<512x768xf32>,
    return
  }
  func.func @transform_0(%arg0: i32) -> (i32, i32) {
    %c0_i32 = arith.constant 0 : i32
    %c0_i32_0 = arith.constant 0 : i32
    return %arg0, %c0_i32 : i32, i32
  }
  func.func @transform_1(%arg0: i32) -> (i32, i32) {
    %c0_i32 = arith.constant 0 : i32
    %c0_i32_0 = arith.constant 0 : i32
    return %arg0, %c0_i32 : i32, i32
  }
  func.func @transform_2(%arg0: i32) -> (i32, i32) {
    %c0_i32 = arith.constant 0 : i32
    %c0_i32_0 = arith.constant 0 : i32
    return %arg0, %c0_i32 : i32, i32
  }
  func.func @transform_3(%arg0: i32) -> (i32, i32) {
    %c0_i32 = arith.constant 0 : i32
    %c0_i32_0 = arith.constant 0 : i32
    return %arg0, %c0_i32 : i32, i32
  }
  func.func @transform_4(%arg0: i32) -> (i32, i32) {
    %c0_i32 = arith.constant 0 : i32
    %c0_i32_0 = arith.constant 0 : i32
    return %arg0, %c0_i32 : i32, i32
  }
  func.func @transform_5(%arg0: i32) -> (i32, i32) {
    %c0_i32 = arith.constant 0 : i32
    %c0_i32_0 = arith.constant 0 : i32
    %c0_i32_1 = arith.constant 0 : i32
    return %c0_i32, %c0_i32_0 : i32, i32
  }
  func.func @transform_6(%arg0: i32) -> (i32, i32) {
    %c0_i32 = arith.constant 0 : i32
    %c0_i32_0 = arith.constant 0 : i32
    %c0_i32_1 = arith.constant 0 : i32
    return %c0_i32, %c0_i32_0 : i32, i32
  }
  func.func @transform_7(%arg0: i32) -> (i32, i32, i32) {
    %c0_i32 = arith.constant 0 : i32
    %c0_i32_0 = arith.constant 0 : i32
    %c0_i32_1 = arith.constant 0 : i32
    %c0_i32_2 = arith.constant 0 : i32
    return %c0_i32, %c0_i32_0, %c0_i32_1 : i32, i32, i32
  }
  func.func @transform_8(%arg0: i32) -> (i32, i32, i32) {
    %c0_i32 = arith.constant 0 : i32
    %c0_i32_0 = arith.constant 0 : i32
    %c0_i32_1 = arith.constant 0 : i32
    %c0_i32_2 = arith.constant 0 : i32
    return %c0_i32, %c0_i32_0, %c0_i32_1 : i32, i32, i32
  }
  func.func @transform_9(%arg0: i32) -> (i32, i32) {
    %c0_i32 = arith.constant 0 : i32
    %c0_i32_0 = arith.constant 0 : i32
    return %arg0, %c0_i32 : i32, i32
  }
  func.func @transform_10(%arg0: i32) -> (i32, i32) {
    %c0_i32 = arith.constant 0 : i32
    %c0_i32_0 = arith.constant 0 : i32
    return %arg0, %c0_i32 : i32, i32
  }
  func.func @transform_11(%arg0: i32) -> (i32, i32) {
    %c0_i32 = arith.constant 0 : i32
    %c0_i32_0 = arith.constant 0 : i32
    return %arg0, %c0_i32 : i32, i32
  }
}

module attributes {stable_mosaic.version = 14 : i64} {
  func.func @_k2_body(%arg0: i32, %arg1: i32, %arg2: memref<512x128xf32, #tpu.memory_space<vmem>>, %arg3: memref<2048x128xf32, #tpu.memory_space<vmem>>, %arg4: memref<2048x128xf32, #tpu.memory_space<vmem>>, %arg5: memref<512x128xf32, #tpu.memory_space<vmem>>) attributes {dimension_semantics = [#tpu.dimension_semantics<arbitrary>, #tpu.dimension_semantics<arbitrary>], iteration_bounds = array<i64: 6, 4>, scalar_prefetch = 0 : i64, scratch_operands = 0 : i64, tpu.core_type = #tpu.core_type<tc>, window_params = [{transform_indices = @transform_0, window_bounds = array<i64: 512, 128>}, {transform_indices = @transform_1, window_bounds = array<i64: 2048, 128>}, {transform_indices = @transform_2, window_bounds = array<i64: 2048, 128>}, {transform_indices = @transform_3, window_bounds = array<i64: 512, 128>}]} {
    %get3A = arith.constant 0 : index
    %get3A_0 = arith.constant 0 : index
    %get3A_1 = vector.load %arg2[%get3A, %get3A_0] : memref<512x128xf32, #tpu.memory_space<vmem>>, vector<512x128xf32>
    %get3A_2 = arith.constant 0 : index
    %get3A_3 = arith.constant 0 : index
    %get3A_4 = vector.load %arg3[%get3A_2, %get3A_3] : memref<2048x128xf32, #tpu.memory_space<vmem>>, vector<2048x128xf32>
    %get3A_5 = arith.constant 0 : index
    %get3A_6 = arith.constant 0 : index
    %get3A_7 = vector.load %arg4[%get3A_5, %get3A_6] : memref<2048x128xf32, #tpu.memory_space<vmem>>, vector<2048x128xf32>
    %slice3A = vector.extract_strided_slice %get3A_1 {offsets = [0, 0], sizes = [512, 64], strides = [1, 1]} : vector<512x128xf32> to vector<512x64xf32>
    %slice3A_8 = vector.extract_strided_slice %get3A_4 {offsets = [0, 0], sizes = [2048, 64], strides = [1, 1]} : vector<2048x128xf32> to vector<2048x64xf32>
    %slice3A_9 = vector.extract_strided_slice %get3A_7 {offsets = [0, 0], sizes = [2048, 64], strides = [1, 1]} : vector<2048x128xf32> to vector<2048x64xf32>
    %convert_element_type3A = arith.truncf %slice3A : vector<512x64xf32> to vector<512x64xbf16>
    %convert_element_type3A_10 = arith.truncf %slice3A_8 : vector<2048x64xf32> to vector<2048x64xbf16>
    %dot_general3A = arith.constant dense<0.000000e+00> : vector<512x2048xf32>
    %dot_general3A_11 = tpu.matmul %convert_element_type3A, %convert_element_type3A_10, %dot_general3A {dimension_numbers = #tpu.dot_dimension_numbers<[1], [1], [0], [0], [0, 0, 1, 0], [], []>, transpose_lhs_hint = false} : vector<512x64xbf16>, vector<2048x64xbf16>, vector<512x2048xf32> -> vector<512x2048xf32>
    %mul3A = arith.constant 1.250000e-01 : f32
    %mul3A_12 = vector.broadcast %mul3A : f32 to vector<512x2048xf32>
    %mul3A_13 = arith.mulf %dot_general3A_11, %mul3A_12 : vector<512x2048xf32>
    %reduce_max3A = arith.constant dense<0xFF800000> : vector<512xf32>
    %reduce_max3A_14 = vector.multi_reduction <maximumf>, %mul3A_13, %reduce_max3A [1] : vector<512x2048xf32> to vector<512xf32>
    %broadcast_in_dim3A = vector.shape_cast %reduce_max3A_14 : vector<512xf32> to vector<512x1xf32>
    %sub3A = vector.broadcast %broadcast_in_dim3A : vector<512x1xf32> to vector<512x2048xf32>
    %sub3A_15 = arith.subf %mul3A_13, %sub3A : vector<512x2048xf32>
    %exp3A = math.exp %sub3A_15 : vector<512x2048xf32>
    %reduce_sum3A = arith.constant dense<0.000000e+00> : vector<512xf32>
    %reduce_sum3A_16 = vector.multi_reduction <add>, %exp3A, %reduce_sum3A [1] : vector<512x2048xf32> to vector<512xf32>
    %broadcast_in_dim3A_17 = vector.shape_cast %reduce_sum3A_16 : vector<512xf32> to vector<512x1xf32>
    %div3A = vector.broadcast %broadcast_in_dim3A_17 : vector<512x1xf32> to vector<512x2048xf32>
    %div3A_18 = arith.divf %exp3A, %div3A : vector<512x2048xf32>
    %convert_element_type3A_19 = arith.truncf %div3A_18 : vector<512x2048xf32> to vector<512x2048xbf16>
    %convert_element_type3A_20 = arith.truncf %slice3A_9 : vector<2048x64xf32> to vector<2048x64xbf16>
    %dot_general3A_21 = arith.constant dense<0.000000e+00> : vector<512x64xf32>
    %dot_general3A_22 = tpu.matmul %convert_element_type3A_19, %convert_element_type3A_20, %dot_general3A_21 {dimension_numbers = #tpu.dot_dimension_numbers<[1], [0], [0], [1], [0, 0, 1, 1], [], []>, transpose_lhs_hint = false} : vector<512x2048xbf16>, vector<2048x64xbf16>, vector<512x64xf32> -> vector<512x64xf32>
    %slice3A_23 = vector.extract_strided_slice %get3A_1 {offsets = [0, 64], sizes = [512, 64], strides = [1, 1]} : vector<512x128xf32> to vector<512x64xf32>
    %slice3A_24 = vector.extract_strided_slice %get3A_4 {offsets = [0, 64], sizes = [2048, 64], strides = [1, 1]} : vector<2048x128xf32> to vector<2048x64xf32>
    %slice3A_25 = vector.extract_strided_slice %get3A_7 {offsets = [0, 64], sizes = [2048, 64], strides = [1, 1]} : vector<2048x128xf32> to vector<2048x64xf32>
    %convert_element_type3A_26 = arith.truncf %slice3A_23 : vector<512x64xf32> to vector<512x64xbf16>
    %convert_element_type3A_27 = arith.truncf %slice3A_24 : vector<2048x64xf32> to vector<2048x64xbf16>
    %dot_general3A_28 = arith.constant dense<0.000000e+00> : vector<512x2048xf32>
    %dot_general3A_29 = tpu.matmul %convert_element_type3A_26, %convert_element_type3A_27, %dot_general3A_28 {dimension_numbers = #tpu.dot_dimension_numbers<[1], [1], [0], [0], [0, 0, 1, 0], [], []>, transpose_lhs_hint = false} : vector<512x64xbf16>, vector<2048x64xbf16>, vector<512x2048xf32> -> vector<512x2048xf32>
    %mul3A_30 = arith.constant 1.250000e-01 : f32
    %mul3A_31 = vector.broadcast %mul3A_30 : f32 to vector<512x2048xf32>
    %mul3A_32 = arith.mulf %dot_general3A_29, %mul3A_31 : vector<512x2048xf32>
    %reduce_max3A_33 = arith.constant dense<0xFF800000> : vector<512xf32>
    %reduce_max3A_34 = vector.multi_reduction <maximumf>, %mul3A_32, %reduce_max3A_33 [1] : vector<512x2048xf32> to vector<512xf32>
    %broadcast_in_dim3A_35 = vector.shape_cast %reduce_max3A_34 : vector<512xf32> to vector<512x1xf32>
    %sub3A_36 = vector.broadcast %broadcast_in_dim3A_35 : vector<512x1xf32> to vector<512x2048xf32>
    %sub3A_37 = arith.subf %mul3A_32, %sub3A_36 : vector<512x2048xf32>
    %exp3A_38 = math.exp %sub3A_37 : vector<512x2048xf32>
    %reduce_sum3A_39 = arith.constant dense<0.000000e+00> : vector<512xf32>
    %reduce_sum3A_40 = vector.multi_reduction <add>, %exp3A_38, %reduce_sum3A_39 [1] : vector<512x2048xf32> to vector<512xf32>
    %broadcast_in_dim3A_41 = vector.shape_cast %reduce_sum3A_40 : vector<512xf32> to vector<512x1xf32>
    %div3A_42 = vector.broadcast %broadcast_in_dim3A_41 : vector<512x1xf32> to vector<512x2048xf32>
    %div3A_43 = arith.divf %exp3A_38, %div3A_42 : vector<512x2048xf32>
    %convert_element_type3A_44 = arith.truncf %div3A_43 : vector<512x2048xf32> to vector<512x2048xbf16>
    %convert_element_type3A_45 = arith.truncf %slice3A_25 : vector<2048x64xf32> to vector<2048x64xbf16>
    %dot_general3A_46 = arith.constant dense<0.000000e+00> : vector<512x64xf32>
    %dot_general3A_47 = tpu.matmul %convert_element_type3A_44, %convert_element_type3A_45, %dot_general3A_46 {dimension_numbers = #tpu.dot_dimension_numbers<[1], [0], [0], [1], [0, 0, 1, 1], [], []>, transpose_lhs_hint = false} : vector<512x2048xbf16>, vector<2048x64xbf16>, vector<512x64xf32> -> vector<512x64xf32>
    %concatenate3A = tpu.concatenate %dot_general3A_22, %dot_general3A_47 in 1 : vector<512x64xf32>, vector<512x64xf32> -> vector<512x128xf32>
    %swap3A = arith.constant 0 : index
    %swap3A_48 = arith.constant 0 : index
    %swap3A_49 = vector.load %arg5[%swap3A, %swap3A_48] : memref<512x128xf32, #tpu.memory_space<vmem>>, vector<512x128xf32>
    tpu.vector_store %arg5[%swap3A, %swap3A_48], %concatenate3A {strides = array<i32>} : memref<512x128xf32, #tpu.memory_space<vmem>>, vector<512x128xf32>,
    return
  }
  func.func @transform_0(%arg0: i32, %arg1: i32) -> (i32, i32) {
    %c0_i32 = arith.constant 0 : i32
    return %arg1, %arg0 : i32, i32
  }
  func.func @transform_1(%arg0: i32, %arg1: i32) -> (i32, i32) {
    %c0_i32 = arith.constant 0 : i32
    %c0_i32_0 = arith.constant 0 : i32
    return %c0_i32, %arg0 : i32, i32
  }
  func.func @transform_2(%arg0: i32, %arg1: i32) -> (i32, i32) {
    %c0_i32 = arith.constant 0 : i32
    %c0_i32_0 = arith.constant 0 : i32
    return %c0_i32, %arg0 : i32, i32
  }
  func.func @transform_3(%arg0: i32, %arg1: i32) -> (i32, i32) {
    %c0_i32 = arith.constant 0 : i32
    return %arg1, %arg0 : i32, i32
  }
}

module attributes {stable_mosaic.version = 14 : i64} {
  func.func @_k3_body(%arg0: i32, %arg1: memref<512x768xf32, #tpu.memory_space<vmem>>, %arg2: memref<512x768xf32, #tpu.memory_space<vmem>>, %arg3: memref<768x768xf32, #tpu.memory_space<vmem>>, %arg4: memref<1x768xf32, #tpu.memory_space<vmem>>, %arg5: memref<1x768xf32, #tpu.memory_space<vmem>>, %arg6: memref<1x768xf32, #tpu.memory_space<vmem>>, %arg7: memref<128x768xf32, #tpu.memory_space<vmem>>, %arg8: memref<512x512xf32, #tpu.memory_space<vmem>>, %arg9: memref<512x768xf32, #tpu.memory_space<vmem>>, %arg10: memref<512x768xf32, #tpu.memory_space<vmem>>, %arg11: memref<512x128xf32, #tpu.memory_space<vmem>>, %arg12: memref<512x128xf32, #tpu.memory_space<vmem>>, %arg13: memref<512x128xf32, #tpu.memory_space<vmem>>, %arg14: memref<512x128xi32, #tpu.memory_space<vmem>>, %arg15: memref<8x128xf32, #tpu.memory_space<vmem>>) attributes {dimension_semantics = [#tpu.dimension_semantics<arbitrary>], iteration_bounds = array<i64: 4>, scalar_prefetch = 0 : i64, scratch_operands = 1 : i64, tpu.core_type = #tpu.core_type<tc>, window_params = [{transform_indices = @transform_0, window_bounds = array<i64: 512, 768>}, {transform_indices = @transform_1, window_bounds = array<i64: 512, 768>}, {pipeline_mode = #tpu.pipeline_mode<synchronous>, transform_indices = @transform_2, window_bounds = array<i64: 768, 768>}, {pipeline_mode = #tpu.pipeline_mode<synchronous>, transform_indices = @transform_3, window_bounds = array<i64: 1, 768>}, {pipeline_mode = #tpu.pipeline_mode<synchronous>, transform_indices = @transform_4, window_bounds = array<i64: 1, 768>}, {pipeline_mode = #tpu.pipeline_mode<synchronous>, transform_indices = @transform_5, window_bounds = array<i64: 1, 768>}, {pipeline_mode = #tpu.pipeline_mode<synchronous>, transform_indices = @transform_6, window_bounds = array<i64: 128, 768>}, {pipeline_mode = #tpu.pipeline_mode<synchronous>, transform_indices = @transform_7, window_bounds = array<i64: 512, 512>}, {transform_indices = @transform_8, window_bounds = array<i64: 512, 768>}, {transform_indices = @transform_9, window_bounds = array<i64: 512, 768>}, {transform_indices = @transform_10, window_bounds = array<i64: 512, 128>}, {transform_indices = @transform_11, window_bounds = array<i64: 512, 128>}, {transform_indices = @transform_12, window_bounds = array<i64: 512, 128>}, {transform_indices = @transform_13, window_bounds = array<i64: 512, 128>}]} {
    %get3A = arith.constant 0 : index
    %get3A_0 = arith.constant 0 : index
    %get3A_1 = vector.load %arg2[%get3A, %get3A_0] : memref<512x768xf32, #tpu.memory_space<vmem>>, vector<512x768xf32>
    %get3A_2 = arith.constant 0 : index
    %get3A_3 = arith.constant 0 : index
    %get3A_4 = vector.load %arg1[%get3A_2, %get3A_3] : memref<512x768xf32, #tpu.memory_space<vmem>>, vector<512x768xf32>
    %get3A_5 = arith.constant 0 : index
    %get3A_6 = arith.constant 0 : index
    %get3A_7 = vector.load %arg3[%get3A_5, %get3A_6] : memref<768x768xf32, #tpu.memory_space<vmem>>, vector<768x768xf32>
    %convert_element_type3A = arith.truncf %get3A_4 : vector<512x768xf32> to vector<512x768xbf16>
    %convert_element_type3A_8 = arith.truncf %get3A_7 : vector<768x768xf32> to vector<768x768xbf16>
    %dot_general3A = arith.constant dense<0.000000e+00> : vector<512x768xf32>
    %dot_general3A_9 = tpu.matmul %convert_element_type3A, %convert_element_type3A_8, %dot_general3A {dimension_numbers = #tpu.dot_dimension_numbers<[1], [1], [0], [0], [0, 0, 1, 0], [], []>, transpose_lhs_hint = false} : vector<512x768xbf16>, vector<768x768xbf16>, vector<512x768xf32> -> vector<512x768xf32>
    %get3A_10 = arith.constant 0 : index
    %get3A_11 = arith.constant 0 : index
    %get3A_12 = vector.load %arg4[%get3A_10, %get3A_11] : memref<1x768xf32, #tpu.memory_space<vmem>>, vector<1x768xf32>
    %add3A = vector.broadcast %get3A_12 : vector<1x768xf32> to vector<512x768xf32>
    %add3A_13 = arith.addf %dot_general3A_9, %add3A : vector<512x768xf32>
    %add3A_14 = arith.addf %get3A_1, %add3A_13 : vector<512x768xf32>
    %reduce_sum3A = arith.constant dense<0.000000e+00> : vector<512xf32>
    %reduce_sum3A_15 = vector.multi_reduction <add>, %add3A_14, %reduce_sum3A [1] : vector<512x768xf32> to vector<512xf32>
    %broadcast_in_dim3A = vector.shape_cast %reduce_sum3A_15 : vector<512xf32> to vector<512x1xf32>
    %div3A = arith.constant 7.680000e+02 : f32
    %div3A_16 = vector.broadcast %div3A : f32 to vector<512x1xf32>
    %div3A_17 = arith.divf %broadcast_in_dim3A, %div3A_16 : vector<512x1xf32>
    %sub3A = vector.broadcast %div3A_17 : vector<512x1xf32> to vector<512x768xf32>
    %sub3A_18 = arith.subf %add3A_14, %sub3A : vector<512x768xf32>
    %mul3A = arith.mulf %sub3A_18, %sub3A_18 : vector<512x768xf32>
    %reduce_sum3A_19 = arith.constant dense<0.000000e+00> : vector<512xf32>
    %reduce_sum3A_20 = vector.multi_reduction <add>, %mul3A, %reduce_sum3A_19 [1] : vector<512x768xf32> to vector<512xf32>
    %broadcast_in_dim3A_21 = vector.shape_cast %reduce_sum3A_20 : vector<512xf32> to vector<512x1xf32>
    %div3A_22 = arith.constant 7.680000e+02 : f32
    %div3A_23 = vector.broadcast %div3A_22 : f32 to vector<512x1xf32>
    %div3A_24 = arith.divf %broadcast_in_dim3A_21, %div3A_23 : vector<512x1xf32>
    %add3A_25 = arith.constant 9.99999974E-6 : f32
    %add3A_26 = vector.broadcast %add3A_25 : f32 to vector<512x1xf32>
    %add3A_27 = arith.addf %div3A_24, %add3A_26 : vector<512x1xf32>
    %sqrt3A = math.sqrt %add3A_27 : vector<512x1xf32>
    %div3A_28 = vector.broadcast %sqrt3A : vector<512x1xf32> to vector<512x768xf32>
    %div3A_29 = arith.divf %sub3A_18, %div3A_28 : vector<512x768xf32>
    %get3A_30 = arith.constant 0 : index
    %get3A_31 = arith.constant 0 : index
    %get3A_32 = vector.load %arg5[%get3A_30, %get3A_31] : memref<1x768xf32, #tpu.memory_space<vmem>>, vector<1x768xf32>
    %mul3A_33 = vector.broadcast %get3A_32 : vector<1x768xf32> to vector<512x768xf32>
    %mul3A_34 = arith.mulf %div3A_29, %mul3A_33 : vector<512x768xf32>
    %get3A_35 = arith.constant 0 : index
    %get3A_36 = arith.constant 0 : index
    %get3A_37 = vector.load %arg6[%get3A_35, %get3A_36] : memref<1x768xf32, #tpu.memory_space<vmem>>, vector<1x768xf32>
    %add3A_38 = vector.broadcast %get3A_37 : vector<1x768xf32> to vector<512x768xf32>
    %add3A_39 = arith.addf %mul3A_34, %add3A_38 : vector<512x768xf32>
    %swap3A = arith.constant 0 : index
    %swap3A_40 = arith.constant 0 : index
    %swap3A_41 = vector.load %arg9[%swap3A, %swap3A_40] : memref<512x768xf32, #tpu.memory_space<vmem>>, vector<512x768xf32>
    tpu.vector_store %arg9[%swap3A, %swap3A_40], %add3A_14 {strides = array<i32>} : memref<512x768xf32, #tpu.memory_space<vmem>>, vector<512x768xf32>,
    %swap3A_42 = arith.constant 0 : index
    %swap3A_43 = arith.constant 0 : index
    %swap3A_44 = vector.load %arg10[%swap3A_42, %swap3A_43] : memref<512x768xf32, #tpu.memory_space<vmem>>, vector<512x768xf32>
    tpu.vector_store %arg10[%swap3A_42, %swap3A_43], %add3A_39 {strides = array<i32>} : memref<512x768xf32, #tpu.memory_space<vmem>>, vector<512x768xf32>,
    %get3A_45 = arith.constant 0 : index
    %get3A_46 = arith.constant 0 : index
    %get3A_47 = vector.load %arg7[%get3A_45, %get3A_46] : memref<128x768xf32, #tpu.memory_space<vmem>>, vector<128x768xf32>
    %convert_element_type3A_48 = arith.truncf %add3A_39 : vector<512x768xf32> to vector<512x768xbf16>
    %convert_element_type3A_49 = arith.truncf %get3A_47 : vector<128x768xf32> to vector<128x768xbf16>
    %dot_general3A_50 = arith.constant dense<0.000000e+00> : vector<512x128xf32>
    %dot_general3A_51 = tpu.matmul %convert_element_type3A_48, %convert_element_type3A_49, %dot_general3A_50 {dimension_numbers = #tpu.dot_dimension_numbers<[1], [1], [0], [0], [0, 0, 1, 0], [], []>, transpose_lhs_hint = false} : vector<512x768xbf16>, vector<128x768xbf16>, vector<512x128xf32> -> vector<512x128xf32>
    %swap3A_52 = arith.constant 0 : index
    %swap3A_53 = arith.constant 0 : index
    %swap3A_54 = vector.load %arg11[%swap3A_52, %swap3A_53] : memref<512x128xf32, #tpu.memory_space<vmem>>, vector<512x128xf32>
    tpu.vector_store %arg11[%swap3A_52, %swap3A_53], %dot_general3A_51 {strides = array<i32>} : memref<512x128xf32, #tpu.memory_space<vmem>>, vector<512x128xf32>,
    %eq3A = arith.constant 0 : i32
    %eq3A_55 = arith.cmpi eq, %arg0, %eq3A : i32
    %convert_element_type3A_56 = arith.extui %eq3A_55 : i1 to i32
    %cond3A = arith.constant 0 : i32
    %cond3A_57 = arith.cmpi ne, %convert_element_type3A_56, %cond3A : i32
    scf.if %cond3A_57 {
      %broadcast_in_dim3A_136 = arith.constant 0.000000e+00 : f32
      %broadcast_in_dim3A_137 = vector.broadcast %broadcast_in_dim3A_136 : f32 to vector<8x128xf32>
      %swap3A_138 = arith.constant 0 : index
      %swap3A_139 = arith.constant 0 : index
      %swap3A_140 = vector.load %arg15[%swap3A_138, %swap3A_139] : memref<8x128xf32, #tpu.memory_space<vmem>>, vector<8x128xf32>
      tpu.vector_store %arg15[%swap3A_138, %swap3A_139], %broadcast_in_dim3A_137 {strides = array<i32>} : memref<8x128xf32, #tpu.memory_space<vmem>>, vector<8x128xf32>,
    } else {
    }
    %iota3A = tpu.iota {dimensions = array<i32: 1>} : vector<512x128xi32>
    %lt3A = arith.constant 8 : i32
    %lt3A_58 = vector.broadcast %lt3A : i32 to vector<512x128xi32>
    %lt3A_59 = arith.cmpi slt, %iota3A, %lt3A_58 : vector<512x128xi32>
    %jit3A = arith.constant -1.000000e+30 : f32
    %broadcast_in_dim3A_60 = vector.broadcast %jit3A : f32 to vector<512x128xf32>
    %select_n3A = arith.select %lt3A_59, %dot_general3A_51, %broadcast_in_dim3A_60 : vector<512x128xi1>, vector<512x128xf32>
    %reduce_max3A = arith.constant dense<0xFF800000> : vector<512xf32>
    %reduce_max3A_61 = vector.multi_reduction <maximumf>, %select_n3A, %reduce_max3A [1] : vector<512x128xf32> to vector<512xf32>
    %broadcast_in_dim3A_62 = vector.shape_cast %reduce_max3A_61 : vector<512xf32> to vector<512x1xf32>
    %sub3A_63 = vector.broadcast %broadcast_in_dim3A_62 : vector<512x1xf32> to vector<512x128xf32>
    %sub3A_64 = arith.subf %select_n3A, %sub3A_63 : vector<512x128xf32>
    %exp3A = math.exp %sub3A_64 : vector<512x128xf32>
    %reduce_sum3A_65 = arith.constant dense<0.000000e+00> : vector<512xf32>
    %reduce_sum3A_66 = vector.multi_reduction <add>, %exp3A, %reduce_sum3A_65 [1] : vector<512x128xf32> to vector<512xf32>
    %broadcast_in_dim3A_67 = vector.shape_cast %reduce_sum3A_66 : vector<512xf32> to vector<512x1xf32>
    %div3A_68 = vector.broadcast %broadcast_in_dim3A_67 : vector<512x1xf32> to vector<512x128xf32>
    %div3A_69 = arith.divf %exp3A, %div3A_68 : vector<512x128xf32>
    %reduce_max3A_70 = arith.constant dense<0xFF800000> : vector<512xf32>
    %reduce_max3A_71 = vector.multi_reduction <maximumf>, %div3A_69, %reduce_max3A_70 [1] : vector<512x128xf32> to vector<512xf32>
    %broadcast_in_dim3A_72 = vector.shape_cast %reduce_max3A_71 : vector<512xf32> to vector<512x1xf32>
    %eq3A_73 = vector.broadcast %broadcast_in_dim3A_72 : vector<512x1xf32> to vector<512x128xf32>
    %eq3A_74 = arith.cmpf oeq, %div3A_69, %eq3A_73 : vector<512x128xf32>
    %and3A = arith.andi %eq3A_74, %lt3A_59 : vector<512x128xi1>
    %jit3A_75 = arith.constant 127 : i32
    %broadcast_in_dim3A_76 = vector.broadcast %jit3A_75 : i32 to vector<512x128xi32>
    %select_n3A_77 = arith.select %and3A, %iota3A, %broadcast_in_dim3A_76 : vector<512x128xi1>, vector<512x128xi32>
    %reduce_min3A = arith.constant dense<2147483647> : vector<512xi32>
    %reduce_min3A_78 = vector.multi_reduction <minsi>, %select_n3A_77, %reduce_min3A [1] : vector<512x128xi32> to vector<512xi32>
    %broadcast_in_dim3A_79 = vector.shape_cast %reduce_min3A_78 : vector<512xi32> to vector<512x1xi32>
    %eq3A_80 = vector.broadcast %broadcast_in_dim3A_79 : vector<512x1xi32> to vector<512x128xi32>
    %eq3A_81 = arith.cmpi eq, %iota3A, %eq3A_80 : vector<512x128xi32>
    %convert_element_type3A_82 = arith.extui %eq3A_81 : vector<512x128xi1> to vector<512x128xi32>
    %convert_element_type3A_83 = arith.sitofp %convert_element_type3A_82 : vector<512x128xi32> to vector<512x128xf32>
    %get3A_84 = arith.constant 0 : index
    %get3A_85 = arith.constant 0 : index
    %get3A_86 = vector.load %arg15[%get3A_84, %get3A_85] : memref<8x128xf32, #tpu.memory_space<vmem>>, vector<1x128xf32>
    %get3A_87 = arith.constant 0 : index
    %get3A_88 = arith.constant 0 : index
    %get3A_89 = vector.load %arg8[%get3A_87, %get3A_88] : memref<512x512xf32, #tpu.memory_space<vmem>>, vector<512x512xf32>
    %dot_general3A_90 = arith.constant dense<0.000000e+00> : vector<512x128xf32>
    %dot_general3A_91 = tpu.matmul %get3A_89, %convert_element_type3A_83, %dot_general3A_90 {dimension_numbers = #tpu.dot_dimension_numbers<[1], [0], [0], [1], [0, 0, 1, 1], [], []>, precision = #tpu.contract_precision<fp32>, transpose_lhs_hint = false} : vector<512x512xf32>, vector<512x128xf32>, vector<512x128xf32> -> vector<512x128xf32>
    %add3A_92 = vector.broadcast %get3A_86 : vector<1x128xf32> to vector<512x128xf32>
    %add3A_93 = arith.addf %dot_general3A_91, %add3A_92 : vector<512x128xf32>
    %reduce_sum3A_94 = arith.constant dense<0.000000e+00> : vector<128xf32>
    %reduce_sum3A_95 = vector.multi_reduction <add>, %convert_element_type3A_83, %reduce_sum3A_94 [0] : vector<512x128xf32> to vector<128xf32>
    %broadcast_in_dim3A_96 = vector.shape_cast %reduce_sum3A_95 : vector<128xf32> to vector<1x128xf32>
    %add3A_97 = arith.addf %get3A_86, %broadcast_in_dim3A_96 : vector<1x128xf32>
    %swap3A_98 = arith.constant 0 : index
    %swap3A_99 = arith.constant 0 : index
    %swap3A_100 = vector.load %arg15[%swap3A_98, %swap3A_99] : memref<8x128xf32, #tpu.memory_space<vmem>>, vector<1x128xf32>
    tpu.vector_store %arg15[%swap3A_98, %swap3A_99], %add3A_97 {strides = array<i32>} : memref<8x128xf32, #tpu.memory_space<vmem>>, vector<1x128xf32>,
    %mul3A_101 = arith.mulf %add3A_93, %convert_element_type3A_83 : vector<512x128xf32>
    %reduce_sum3A_102 = arith.constant dense<0.000000e+00> : vector<512xf32>
    %reduce_sum3A_103 = vector.multi_reduction <add>, %mul3A_101, %reduce_sum3A_102 [1] : vector<512x128xf32> to vector<512xf32>
    %broadcast_in_dim3A_104 = vector.shape_cast %reduce_sum3A_103 : vector<512xf32> to vector<512x1xf32>
    %le3A = arith.constant 5.120000e+02 : f32
    %le3A_105 = vector.broadcast %le3A : f32 to vector<512x1xf32>
    %le3A_106 = arith.cmpf ole, %broadcast_in_dim3A_104, %le3A_105 : vector<512x1xf32>
    %jit3A_107 = arith.constant 0.000000e+00 : f32
    %broadcast_in_dim3A_108 = vector.broadcast %jit3A_107 : f32 to vector<512x1xf32>
    %select_n3A_109 = arith.select %le3A_106, %broadcast_in_dim3A_72, %broadcast_in_dim3A_108 : vector<512x1xi1>, vector<512x1xf32>
    %mul3A_110 = vector.broadcast %select_n3A_109 : vector<512x1xf32> to vector<512x128xf32>
    %mul3A_111 = arith.mulf %convert_element_type3A_83, %mul3A_110 : vector<512x128xf32>
    %swap3A_112 = arith.constant 0 : index
    %swap3A_113 = arith.constant 0 : index
    %swap3A_114 = vector.load %arg12[%swap3A_112, %swap3A_113] : memref<512x128xf32, #tpu.memory_space<vmem>>, vector<512x128xf32>
    tpu.vector_store %arg12[%swap3A_112, %swap3A_113], %mul3A_111 {strides = array<i32>} : memref<512x128xf32, #tpu.memory_space<vmem>>, vector<512x128xf32>,
    %broadcast_in_dim3A_115 = vector.shape_cast %select_n3A_109 : vector<512x1xf32> to vector<512x1xf32>
    %broadcast_in_dim3A_116 = vector.broadcast %broadcast_in_dim3A_115 : vector<512x1xf32> to vector<512x128xf32>
    %swap3A_117 = arith.constant 0 : index
    %swap3A_118 = arith.constant 0 : index
    %swap3A_119 = vector.load %arg13[%swap3A_117, %swap3A_118] : memref<512x128xf32, #tpu.memory_space<vmem>>, vector<512x128xf32>
    tpu.vector_store %arg13[%swap3A_117, %swap3A_118], %broadcast_in_dim3A_116 {strides = array<i32>} : memref<512x128xf32, #tpu.memory_space<vmem>>, vector<512x128xf32>,
    %mul3A_120 = arith.constant 512 : i32
    %mul3A_121 = vector.broadcast %mul3A_120 : i32 to vector<512x1xi32>
    %mul3A_122 = arith.muli %broadcast_in_dim3A_79, %mul3A_121 : vector<512x1xi32>
    %convert_element_type3A_123 = arith.fptosi %broadcast_in_dim3A_104 : vector<512x1xf32> to vector<512x1xi32>
    %add3A_124 = arith.addi %mul3A_122, %convert_element_type3A_123 : vector<512x1xi32>
    %sub3A_125 = arith.constant 1 : i32
    %sub3A_126 = vector.broadcast %sub3A_125 : i32 to vector<512x1xi32>
    %sub3A_127 = arith.subi %add3A_124, %sub3A_126 : vector<512x1xi32>
    %jit3A_128 = arith.constant 4096 : i32
    %broadcast_in_dim3A_129 = vector.broadcast %jit3A_128 : i32 to vector<512x1xi32>
    %select_n3A_130 = arith.select %le3A_106, %sub3A_127, %broadcast_in_dim3A_129 : vector<512x1xi1>, vector<512x1xi32>
    %broadcast_in_dim3A_131 = vector.shape_cast %select_n3A_130 : vector<512x1xi32> to vector<512x1xi32>
    %broadcast_in_dim3A_132 = vector.broadcast %broadcast_in_dim3A_131 : vector<512x1xi32> to vector<512x128xi32>
    %swap3A_133 = arith.constant 0 : index
    %swap3A_134 = arith.constant 0 : index
    %swap3A_135 = vector.load %arg14[%swap3A_133, %swap3A_134] : memref<512x128xi32, #tpu.memory_space<vmem>>, vector<512x128xi32>
    tpu.vector_store %arg14[%swap3A_133, %swap3A_134], %broadcast_in_dim3A_132 {strides = array<i32>} : memref<512x128xi32, #tpu.memory_space<vmem>>, vector<512x128xi32>,
    return
  }
  func.func @transform_0(%arg0: i32) -> (i32, i32) {
    %c0_i32 = arith.constant 0 : i32
    %c0_i32_0 = arith.constant 0 : i32
    return %arg0, %c0_i32 : i32, i32
  }
  func.func @transform_1(%arg0: i32) -> (i32, i32) {
    %c0_i32 = arith.constant 0 : i32
    %c0_i32_0 = arith.constant 0 : i32
    return %arg0, %c0_i32 : i32, i32
  }
  func.func @transform_2(%arg0: i32) -> (i32, i32) {
    %c0_i32 = arith.constant 0 : i32
    %c0_i32_0 = arith.constant 0 : i32
    %c0_i32_1 = arith.constant 0 : i32
    return %c0_i32, %c0_i32_0 : i32, i32
  }
  func.func @transform_3(%arg0: i32) -> (i32, i32) {
    %c0_i32 = arith.constant 0 : i32
    %c0_i32_0 = arith.constant 0 : i32
    %c0_i32_1 = arith.constant 0 : i32
    return %c0_i32, %c0_i32_0 : i32, i32
  }
  func.func @transform_4(%arg0: i32) -> (i32, i32) {
    %c0_i32 = arith.constant 0 : i32
    %c0_i32_0 = arith.constant 0 : i32
    %c0_i32_1 = arith.constant 0 : i32
    return %c0_i32, %c0_i32_0 : i32, i32
  }
  func.func @transform_5(%arg0: i32) -> (i32, i32) {
    %c0_i32 = arith.constant 0 : i32
    %c0_i32_0 = arith.constant 0 : i32
    %c0_i32_1 = arith.constant 0 : i32
    return %c0_i32, %c0_i32_0 : i32, i32
  }
  func.func @transform_6(%arg0: i32) -> (i32, i32) {
    %c0_i32 = arith.constant 0 : i32
    %c0_i32_0 = arith.constant 0 : i32
    %c0_i32_1 = arith.constant 0 : i32
    return %c0_i32, %c0_i32_0 : i32, i32
  }
  func.func @transform_7(%arg0: i32) -> (i32, i32) {
    %c0_i32 = arith.constant 0 : i32
    %c0_i32_0 = arith.constant 0 : i32
    %c0_i32_1 = arith.constant 0 : i32
    return %c0_i32, %c0_i32_0 : i32, i32
  }
  func.func @transform_8(%arg0: i32) -> (i32, i32) {
    %c0_i32 = arith.constant 0 : i32
    %c0_i32_0 = arith.constant 0 : i32
    return %arg0, %c0_i32 : i32, i32
  }
  func.func @transform_9(%arg0: i32) -> (i32, i32) {
    %c0_i32 = arith.constant 0 : i32
    %c0_i32_0 = arith.constant 0 : i32
    return %arg0, %c0_i32 : i32, i32
  }
  func.func @transform_10(%arg0: i32) -> (i32, i32) {
    %c0_i32 = arith.constant 0 : i32
    %c0_i32_0 = arith.constant 0 : i32
    return %arg0, %c0_i32 : i32, i32
  }
  func.func @transform_11(%arg0: i32) -> (i32, i32) {
    %c0_i32 = arith.constant 0 : i32
    %c0_i32_0 = arith.constant 0 : i32
    return %arg0, %c0_i32 : i32, i32
  }
  func.func @transform_12(%arg0: i32) -> (i32, i32) {
    %c0_i32 = arith.constant 0 : i32
    %c0_i32_0 = arith.constant 0 : i32
    return %arg0, %c0_i32 : i32, i32
  }
  func.func @transform_13(%arg0: i32) -> (i32, i32) {
    %c0_i32 = arith.constant 0 : i32
    %c0_i32_0 = arith.constant 0 : i32
    return %arg0, %c0_i32 : i32, i32
  }
}

module attributes {stable_mosaic.version = 14 : i64} {
  func.func @_k5_body(%arg0: i32, %arg1: i32, %arg2: memref<1x512x768xf32, #tpu.memory_space<vmem>>, %arg3: memref<1x768x768xf32, #tpu.memory_space<vmem>>, %arg4: memref<1x768x768xf32, #tpu.memory_space<vmem>>, %arg5: memref<1x512x128xf32, #tpu.memory_space<vmem>>, %arg6: memref<1x512x768xf32, #tpu.memory_space<vmem>>) attributes {dimension_semantics = [#tpu.dimension_semantics<arbitrary>, #tpu.dimension_semantics<arbitrary>], iteration_bounds = array<i64: 9, 4>, scalar_prefetch = 0 : i64, scratch_operands = 0 : i64, tpu.core_type = #tpu.core_type<tc>, window_params = [{transform_indices = @transform_0, window_bounds = array<i64: 1, 512, 768>}, {transform_indices = @transform_1, window_bounds = array<i64: 1, 768, 768>}, {transform_indices = @transform_2, window_bounds = array<i64: 1, 768, 768>}, {transform_indices = @transform_3, window_bounds = array<i64: 1, 512, 128>}, {transform_indices = @transform_4, window_bounds = array<i64: 1, 512, 768>}]} {
    %eq3A = arith.constant 0 : i32
    %eq3A_0 = arith.cmpi eq, %arg1, %eq3A : i32
    %convert_element_type3A = arith.extui %eq3A_0 : i1 to i32
    %cond3A = arith.constant 0 : i32
    %cond3A_1 = arith.cmpi ne, %convert_element_type3A, %cond3A : i32
    scf.if %cond3A_1 {
      %broadcast_in_dim3A = arith.constant 0.000000e+00 : f32
      %broadcast_in_dim3A_6 = vector.broadcast %broadcast_in_dim3A : f32 to vector<1x512x768xf32>
      %swap3A = arith.constant 0 : index
      %swap3A_7 = arith.constant 0 : index
      %swap3A_8 = arith.constant 0 : index
      %swap3A_9 = vector.load %arg6[%swap3A, %swap3A_7, %swap3A_8] : memref<1x512x768xf32, #tpu.memory_space<vmem>>, vector<1x512x768xf32>
      tpu.vector_store %arg6[%swap3A, %swap3A_7, %swap3A_8], %broadcast_in_dim3A_6 {strides = array<i32>} : memref<1x512x768xf32, #tpu.memory_space<vmem>>, vector<1x512x768xf32>,
    } else {
    }
    %lt3A = arith.constant 8 : i32
    %lt3A_2 = arith.cmpi slt, %arg0, %lt3A : i32
    %convert_element_type3A_3 = arith.extui %lt3A_2 : i1 to i32
    %cond3A_4 = arith.constant 0 : i32
    %cond3A_5 = arith.cmpi ne, %convert_element_type3A_3, %cond3A_4 : i32
    scf.if %cond3A_5 {
      %get3A = arith.constant 0 : index
      %get3A_6 = arith.constant 0 : index
      %get3A_7 = arith.constant 0 : index
      %get3A_8 = vector.load %arg2[%get3A, %get3A_6, %get3A_7] : memref<1x512x768xf32, #tpu.memory_space<vmem>>, vector<1x512x768xf32>
      %get3A_9 = vector.shape_cast %get3A_8 : vector<1x512x768xf32> to vector<512x768xf32>
      %get3A_10 = arith.constant 0 : index
      %get3A_11 = arith.constant 0 : index
      %get3A_12 = arith.constant 0 : index
      %get3A_13 = vector.load %arg3[%get3A_10, %get3A_11, %get3A_12] : memref<1x768x768xf32, #tpu.memory_space<vmem>>, vector<1x768x768xf32>
      %get3A_14 = vector.shape_cast %get3A_13 : vector<1x768x768xf32> to vector<768x768xf32>
      %convert_element_type3A_15 = arith.truncf %get3A_9 : vector<512x768xf32> to vector<512x768xbf16>
      %convert_element_type3A_16 = arith.truncf %get3A_14 : vector<768x768xf32> to vector<768x768xbf16>
      %dot_general3A = arith.constant dense<0.000000e+00> : vector<512x768xf32>
      %dot_general3A_17 = tpu.matmul %convert_element_type3A_15, %convert_element_type3A_16, %dot_general3A {dimension_numbers = #tpu.dot_dimension_numbers<[1], [1], [0], [0], [0, 0, 1, 0], [], []>, transpose_lhs_hint = false} : vector<512x768xbf16>, vector<768x768xbf16>, vector<512x768xf32> -> vector<512x768xf32>
      %mul3A = arith.constant 5.000000e-01 : f32
      %mul3A_18 = vector.broadcast %mul3A : f32 to vector<512x768xf32>
      %mul3A_19 = arith.mulf %mul3A_18, %dot_general3A_17 : vector<512x768xf32>
      %mul3A_20 = arith.constant 0.707106769 : f32
      %mul3A_21 = vector.broadcast %mul3A_20 : f32 to vector<512x768xf32>
      %mul3A_22 = arith.mulf %dot_general3A_17, %mul3A_21 : vector<512x768xf32>
      %erf3A = math.erf %mul3A_22 : vector<512x768xf32>
      %add3A = arith.constant 1.000000e+00 : f32
      %add3A_23 = vector.broadcast %add3A : f32 to vector<512x768xf32>
      %add3A_24 = arith.addf %add3A_23, %erf3A : vector<512x768xf32>
      %mul3A_25 = arith.mulf %mul3A_19, %add3A_24 : vector<512x768xf32>
      %get3A_26 = arith.constant 0 : index
      %get3A_27 = arith.constant 0 : index
      %get3A_28 = arith.constant 0 : index
      %get3A_29 = vector.load %arg4[%get3A_26, %get3A_27, %get3A_28] : memref<1x768x768xf32, #tpu.memory_space<vmem>>, vector<1x768x768xf32>
      %get3A_30 = vector.shape_cast %get3A_29 : vector<1x768x768xf32> to vector<768x768xf32>
      %convert_element_type3A_31 = arith.truncf %mul3A_25 : vector<512x768xf32> to vector<512x768xbf16>
      %convert_element_type3A_32 = arith.truncf %get3A_30 : vector<768x768xf32> to vector<768x768xbf16>
      %dot_general3A_33 = arith.constant dense<0.000000e+00> : vector<512x768xf32>
      %dot_general3A_34 = tpu.matmul %convert_element_type3A_31, %convert_element_type3A_32, %dot_general3A_33 {dimension_numbers = #tpu.dot_dimension_numbers<[1], [1], [0], [0], [0, 0, 1, 0], [], []>, transpose_lhs_hint = false} : vector<512x768xbf16>, vector<768x768xbf16>, vector<512x768xf32> -> vector<512x768xf32>
      %get3A_35 = arith.constant 0 : index
      %get3A_36 = arith.constant 0 : index
      %get3A_37 = arith.constant 0 : index
      %get3A_38 = vector.load %arg6[%get3A_35, %get3A_36, %get3A_37] : memref<1x512x768xf32, #tpu.memory_space<vmem>>, vector<1x512x768xf32>
      %get3A_39 = vector.shape_cast %get3A_38 : vector<1x512x768xf32> to vector<512x768xf32>
      %get3A_40 = arith.constant 0 : index
      %get3A_41 = arith.constant 0 : index
      %get3A_42 = arith.constant 0 : index
      %get3A_43 = vector.load %arg5[%get3A_40, %get3A_41, %get3A_42] : memref<1x512x128xf32, #tpu.memory_space<vmem>>, vector<1x512x128xf32>
      %get3A_44 = vector.shape_cast %get3A_43 : vector<1x512x128xf32> to vector<512x128xf32>
      %slice3A = vector.extract_strided_slice %get3A_44 {offsets = [0, 0], sizes = [512, 1], strides = [1, 1]} : vector<512x128xf32> to vector<512x1xf32>
      %mul3A_45 = vector.broadcast %slice3A : vector<512x1xf32> to vector<512x768xf32>
      %mul3A_46 = arith.mulf %dot_general3A_34, %mul3A_45 : vector<512x768xf32>
      %add3A_47 = arith.addf %get3A_39, %mul3A_46 : vector<512x768xf32>
      %swap3A = arith.constant 0 : index
      %swap3A_48 = arith.constant 0 : index
      %swap3A_49 = arith.constant 0 : index
      %swap3A_50 = vector.load %arg6[%swap3A, %swap3A_48, %swap3A_49] : memref<1x512x768xf32, #tpu.memory_space<vmem>>, vector<1x512x768xf32>
      %swap3A_51 = vector.shape_cast %swap3A_50 : vector<1x512x768xf32> to vector<512x768xf32>
      %swap3A_52 = vector.shape_cast %add3A_47 : vector<512x768xf32> to vector<1x512x768xf32>
      tpu.vector_store %arg6[%swap3A, %swap3A_48, %swap3A_49], %swap3A_52 {strides = array<i32>} : memref<1x512x768xf32, #tpu.memory_space<vmem>>, vector<1x512x768xf32>,
    } else {
    }
    return
  }
  func.func @transform_0(%arg0: i32, %arg1: i32) -> (i32, i32, i32) {
    %c0_i32 = arith.constant 0 : i32
    %c0_i32_0 = arith.constant 0 : i32
    %c0_i32_1 = arith.constant 0 : i32
    return %arg0, %c0_i32, %c0_i32_0 : i32, i32, i32
  }
  func.func @transform_1(%arg0: i32, %arg1: i32) -> (i32, i32, i32) {
    %min3A = arith.constant 7 : i32
    %min3A_0 = arith.minsi %arg0, %min3A : i32
    %c0_i32 = arith.constant 0 : i32
    %c0_i32_1 = arith.constant 0 : i32
    return %min3A_0, %arg1, %c0_i32 : i32, i32, i32
  }
  func.func @transform_2(%arg0: i32, %arg1: i32) -> (i32, i32, i32) {
    %min3A = arith.constant 7 : i32
    %min3A_0 = arith.minsi %arg0, %min3A : i32
    %c0_i32 = arith.constant 0 : i32
    %c0_i32_1 = arith.constant 0 : i32
    return %min3A_0, %c0_i32, %arg1 : i32, i32, i32
  }
  func.func @transform_3(%arg0: i32, %arg1: i32) -> (i32, i32, i32) {
    %c0_i32 = arith.constant 0 : i32
    %c0_i32_0 = arith.constant 0 : i32
    %c0_i32_1 = arith.constant 0 : i32
    return %arg0, %c0_i32, %c0_i32_0 : i32, i32, i32
  }
  func.func @transform_4(%arg0: i32, %arg1: i32) -> (i32, i32, i32) {
    %c0_i32 = arith.constant 0 : i32
    %c0_i32_0 = arith.constant 0 : i32
    %c0_i32_1 = arith.constant 0 : i32
    return %arg0, %c0_i32, %c0_i32_0 : i32, i32, i32
  }
}

module attributes {stable_mosaic.version = 14 : i64} {
  func.func @_k6_body(%arg0: i32, %arg1: memref<512x768xf32, #tpu.memory_space<vmem>>, %arg2: memref<512x768xf32, #tpu.memory_space<vmem>>, %arg3: memref<512x768xf32, #tpu.memory_space<vmem>>) attributes {dimension_semantics = [#tpu.dimension_semantics<arbitrary>], iteration_bounds = array<i64: 4>, scalar_prefetch = 0 : i64, scratch_operands = 0 : i64, tpu.core_type = #tpu.core_type<tc>, window_params = [{transform_indices = @transform_0, window_bounds = array<i64: 512, 768>}, {transform_indices = @transform_1, window_bounds = array<i64: 512, 768>}, {transform_indices = @transform_2, window_bounds = array<i64: 512, 768>}]} {
    %get3A = arith.constant 0 : index
    %get3A_0 = arith.constant 0 : index
    %get3A_1 = vector.load %arg1[%get3A, %get3A_0] : memref<512x768xf32, #tpu.memory_space<vmem>>, vector<512x768xf32>
    %get3A_2 = arith.constant 0 : index
    %get3A_3 = arith.constant 0 : index
    %get3A_4 = vector.load %arg2[%get3A_2, %get3A_3] : memref<512x768xf32, #tpu.memory_space<vmem>>, vector<512x768xf32>
    %add3A = arith.addf %get3A_1, %get3A_4 : vector<512x768xf32>
    %swap3A = arith.constant 0 : index
    %swap3A_5 = arith.constant 0 : index
    %swap3A_6 = vector.load %arg3[%swap3A, %swap3A_5] : memref<512x768xf32, #tpu.memory_space<vmem>>, vector<512x768xf32>
    tpu.vector_store %arg3[%swap3A, %swap3A_5], %add3A {strides = array<i32>} : memref<512x768xf32, #tpu.memory_space<vmem>>, vector<512x768xf32>,
    return
  }
  func.func @transform_0(%arg0: i32) -> (i32, i32) {
    %c0_i32 = arith.constant 0 : i32
    %c0_i32_0 = arith.constant 0 : i32
    return %arg0, %c0_i32 : i32, i32
  }
  func.func @transform_1(%arg0: i32) -> (i32, i32) {
    %c0_i32 = arith.constant 0 : i32
    %c0_i32_0 = arith.constant 0 : i32
    return %arg0, %c0_i32 : i32, i32
  }
  func.func @transform_2(%arg0: i32) -> (i32, i32) {
    %c0_i32 = arith.constant 0 : i32
    %c0_i32_0 = arith.constant 0 : i32
    return %arg0, %c0_i32 : i32, i32
  }
}

</mosaic_0001>

<sc_bundles>
// kernel: kernel.12.cloned.1.call-start
scs
__scs_entry_jumppad:
0x0: {  	(pc) =	sbr.rel $0x88, $3  }
0x1: {  	(tag) =	ssettag $0x0;
	lr =	simm.s32 $0x1  }
0x2: {  	[smem:$0x3F93] =	sst lr;
	_ =	strace $0xD0000000  }
0x3: {  	_ = 	snop  }
0x4: {  	_ = 	snop  }
0x5: {  	_ = 	snop  }
0x6: {  	_ = 	snop  }
0x7: {  	_ = 	snop  }
__scs_overlays_trampoline_lowered:
0x8: {  	[smem:$0x3FA2] =	sst s0  }
0x9: {  	[smem:$0x3FA3] =	sst s1  }
0xa: {  	[smem:$0x3FA4] =	sst s2  }
0xb: {  	[smem:$0x3FA5] =	sst s3  }
0xc: {  	[smem:$0x3FA6] =	sst s4  }
0xd: {  	[smem:$0x3FA7] =	sst s5  }
0xe: {  	[smem:$0x3FA8] =	sst s6  }
0xf: {  	[smem:$0x3FA9] =	sst s7  }
0x10: {  	[smem:$0x3FAA] =	sst s8  }
0x11: {  	[smem:$0x3FAB] =	sst s9;
	s0 =	simm.s32 @!p0 $0x0  }
0x12: {  	s1 =	sld [smem:$0x3F91];
	s0 =	simm.s32 @p0 $0x1  }
0x13: {  	[smem:$0x3FAC] =	sst s0;
	s0 =	simm.s32 @!p1 $0x0  }
0x14: {  	s2 =	sld [smem:$0x3F90];
	s0 =	simm.s32 @p1 $0x1  }
0x15: {  	[smem:$0x3FAD] =	sst s0;
	s0 =	simm.s32 @!p2 $0x0  }
0x16: {  	s3 =	sld [smem:$0x3FDB];
	s0 =	simm.s32 @p2 $0x1  }
0x17: {  	s4 =	simm.s32 $0x1BF5;
	[smem:$0x3FAF] =	sst s0  }
0x18: {  	s0 =	sld [smem:$0x3F92];
	_ =	swait.ge [sflag:s4], $0x0  }
0x19: {  	s7 =	sld [smem:$0x3F93]  }
0x1a: {  	s8 =	sadd.s32 $0xFFFFE003, lr  }
0x1b: {  	s9 =	sadd.s32 $0xFFFFFEF7, lr;
	s5 =	simm.s32 $0xFFFFFFFF;
	p2 =	slt.u32 s8, $0xFFFFF086  }
0x1c: {  	p1 =	slt.u32 s9, $0xF7A;
	s5 =	simm.s32 @!p2 $0x0  }
0x1d: {  	s5 =	simm.s32 @p1 $0x1;
	p0 =	seq.s32 s7, s2  }
0x1e: {  	s7 =	smul.u32 @!p0 $0xF7A, s2;
	p2 =	seq.s32 @!p0 s5, $0x0  }
0x1f: {  	s9 =	smul.u32 $0xF7A, s1;
	s8 =	simm.s32 @!p0 $0x1BF5;
	p2 =	por !p2, p0  }
0x20: {  	[sflag:s8] =	ssyncset.s32 @!p0 $0xFFFFF086;
	s6 =	sadd.s32 @!p0 s3, s7;
	s7 =	simm.s32 @!p0 $0x108  }
0x21: {  	s3 =	sadd.s32 s3, s9;
	s6 =	sadd.s32 @!p0 $0x88, s6;
	s7 =	simm.s32 @p2 $0x1082  }
0x22: {  	[simem:s7], [sflag:s8] =	dma.local @!p0 [hbm:s6], $0xF7A  }
0x23: {  	s9 =	sor.u32 $0xD0000000, s2;
	s6 =	simm.s32 $0x108;
	_ =	swait.ge @!p0 [sflag:s8], $0x0  }
0x24: {  	s3 =	sadd.s32 $0x88, s3;
	s6 =	simm.s32 @!p1 $0x1082;
	[sflag:s4] =	ssyncset.s32 $0xFFFFF086  }
0x25: {  	[simem:s6], [sflag:s4] =	dma.local [hbm:s3], $0xF7A  }
0x26: {  	[smem:$0x3F93] =	sst s1;
	(tag) =	ssettag s2;
	_ =	strace s9  }
0x27: {  	s1 =	sld [smem:$0x3FA3]  }
0x28: {  	s2 =	sld [smem:$0x3FA4]  }
0x29: {  	s4 =	sld [smem:$0x3FA6]  }
0x2a: {  	p0 =	seq.s32 s5, $0x0;
	s5 =	sld [smem:$0x3FA7]  }
0x2b: {  	s6 =	sld [smem:$0x3FA8]  }
0x2c: {  	s7 =	sld [smem:$0x3FA9]  }
0x2d: {  	s3 =	simm.s32 $0x108;
	s8 =	sld [smem:$0x3FAA]  }
0x2e: {  	s3 =	simm.s32 @!p0 $0x1082;
	s9 =	sld [smem:$0x3FAB]  }
0x2f: {  	lr =	sadd.s32 s0, s3;
	s0 =	sld [smem:$0x3FA2]  }
0x30: {  	s3 =	sld [smem:$0x3FA5]  }
0x31: {  	[smem:$0x3FAE] =	sst s10  }
0x32: {  	s10 =	sld [smem:$0x3FAC];
	_ =	sdelay $0x3  }
0x33: {  	p0 =	seq.s32 s10, $0x1;
	s10 =	sld [smem:$0x3FAE];
	_ =	sdelay $0x3  }
0x34: {  	[smem:$0x3FAE] =	sst s10  }
0x35: {  	s10 =	sld [smem:$0x3FAD];
	_ =	sdelay $0x3  }
0x36: {  	p1 =	seq.s32 s10, $0x1;
	s10 =	sld [smem:$0x3FAE];
	_ =	sdelay $0x3  }
0x37: {  	[smem:$0x3FAE] =	sst s10  }
0x38: {  	s10 =	sld [smem:$0x3FAF]  }
0x39: {  	_ = 	snop;
	(pc) =	sbr.ind lr, $3  }
0x3a: {  	_ = 	snop  }
0x3b: {  	_ = 	snop  }
0x3c: {  	p2 =	seq.s32 s10, $0x1;
	s10 =	sld [smem:$0x3FAE]  }
0x3d: {  	_ =	shalt  }
0x3e: {  	_ =	shalt  }
0x3f: {  	_ =	shalt  }
0x40: {  	_ =	shalt  }
0x41: {  	_ =	shalt  }
0x42: {  	_ =	shalt  }
0x43: {  	_ =	shalt  }
0x44: {  	_ =	shalt  }
0x45: {  	_ =	shalt  }
0x46: {  	_ =	shalt  }
0x47: {  	_ =	shalt  }
0x48: {  	_ =	shalt  }
0x49: {  	_ =	shalt  }
0x4a: {  	_ =	shalt  }
0x4b: {  	_ =	shalt  }
0x4c: {  	_ =	shalt  }
0x4d: {  	_ =	shalt  }
0x4e: {  	_ =	shalt  }
0x4f: {  	_ =	shalt  }
0x50: {  	_ =	shalt  }
0x51: {  	_ =	shalt  }
0x52: {  	_ =	shalt  }
0x53: {  	_ =	shalt  }
0x54: {  	_ =	shalt  }
0x55: {  	_ =	shalt  }
0x56: {  	_ =	shalt  }
0x57: {  	_ =	shalt  }
0x58: {  	_ =	shalt  }
0x59: {  	_ =	shalt  }
0x5a: {  	_ =	shalt  }
0x5b: {  	_ =	shalt  }
0x5c: {  	_ =	shalt  }
0x5d: {  	_ =	shalt  }
0x5e: {  	_ =	shalt  }
0x5f: {  	_ =	shalt  }
0x60: {  	_ =	shalt  }
0x61: {  	_ =	shalt  }
0x62: {  	_ =	shalt  }
0x63: {  	_ =	shalt  }
0x64: {  	_ =	shalt  }
0x65: {  	_ =	shalt  }
0x66: {  	_ =	shalt  }
0x67: {  	_ =	shalt  }
0x68: {  	_ =	shalt  }
0x69: {  	_ =	shalt  }
0x6a: {  	_ =	shalt  }
0x6b: {  	_ =	shalt  }
0x6c: {  	_ =	shalt  }
0x6d: {  	_ =	shalt  }
0x6e: {  	_ =	shalt  }
0x6f: {  	_ =	shalt  }
0x70: {  	_ =	shalt  }
0x71: {  	_ =	shalt  }
0x72: {  	_ =	shalt  }
0x73: {  	_ =	shalt  }
0x74: {  	_ =	shalt  }
0x75: {  	_ =	shalt  }
0x76: {  	_ =	shalt  }
0x77: {  	_ =	shalt  }
0x78: {  	_ =	shalt  }
0x79: {  	_ =	shalt  }
0x7a: {  	_ =	shalt  }
0x7b: {  	_ =	shalt  }
0x7c: {  	_ =	shalt  }
0x7d: {  	_ =	shalt  }
0x7e: {  	_ =	shalt  }
0x7f: {  	_ =	shalt  }
0x80: {  	_ =	shalt  }
0x81: {  	_ =	shalt  }
0x82: {  	_ =	shalt  }
0x83: {  	_ =	shalt  }
0x84: {  	_ =	shalt  }
0x85: {  	_ =	shalt  }
0x86: {  	_ =	shalt  }
0x87: {  	_ =	shalt  }
.Lfunc_end0:
.L_simem_size_0:
called_computation.1_lowered:
.L_overlay_start_0:
0x88: {  	s2 =	sld [smem:$0x3FD9]  }
0x89: {  	s3 =	sld [smem:$0x3FFE];
	_ =	sdelay $0x1  }
0x8a: {  	s1 =	srdreg.scid  }
0x8b: {  	s0 =	sand.u32 $0x1, s1  }
0x8c: {  	s14 =	sshll.u32 s0, $0xA;
	s2 =	sadd.s32 s3, s2  }
0x8d: {  	s2 =	sadd.s32 s2, s14  }
0x8e: {  	[smem:$0x3FBA] =	sst s2  }
0x8f: {  	_ = 	snop  }
0x90: {  	s2 =	sld [smem:$0x3FD0];
	_ =	sdelay $0x2  }
0x91: {  	s15 =	simm.s32 $0xA;
	s4 =	simm.s32 $0x10  }
0x92: {  	[smem:s4], [sflag:s15] =	dma.local [hbm:s2], $0x1  }
0x93: {  	_ =	swait.eq [sflag:s15], $0x1  }
0x94: {  	[sflag:s15] =	ssyncset.done $0x0  }
0x95: {  	[sflag:s15] =	ssyncadd.s32 $0xFFFFFFFF  }
0x96: {  	s16 =	sld [smem:$0x10];
	(tm) =	ssettm $0x1  }
0x97: {  	s17 =	sld [smem:$0x3FFB];
	_ =	sdelay $0x3  }
0x98: {  	_ =	strace s17  }
0x99: {  	s3 =	sld [smem:$0x3FFC];
	_ =	sdelay $0x3  }
0x9a: {  	_ =	strace s3  }
0x9b: {  	s3 =	sld [smem:$0x3FFD];
	_ =	sdelay $0x3  }
0x9c: {  	_ =	strace s3  }
0x9d: {  	_ =	strace $0x8FFFFFFF  }
0x9e: {  	s18 =	sld [smem:$0x3FDB];
	_ =	sdelay $0x1  }
0x9f: {  	s19 =	simm.s32 $_scs_section_size  }
0xa0: {  	s5 =	simm.s32 $_size__tile_overlayer_lowered;
	s6 =	simm.s32 $_tile_overlayer_lowered  }
0xa1: {  	s22 =	simm.s32 $0x1BFF;
	s21 =	sshll.u32 s6, $0x1;
	s3 =	sadd.s32 s19, s18  }
0xa2: {  	s7 =	simm.s32 $0x0;
	s20 =	sshll.u32 s5, $0x1;
	s5 =	sadd.s32 s21, s3  }
0xa3: {  	[timem:s7], [sflag:s22] =	dma.local [hbm:s5], s20  }
0xa4: {  	_ =	swait.ge [sflag:s22], s20  }
0xa5: {  	s4 =	ssub.s32 $0x0, s20;
	[sflag:s22] =	ssyncset.done $0x0  }
0xa6: {  	[sflag:s22] =	ssyncadd.s32 s4;
	_ =	sdelay $0x1  }
0xa7: {  	s23 =	simm.s32 $0x1B8B  }
0xa8: {  	_ =	swait.ge [sflag:s23], $0x1  }
0xa9: {  	[sflag:s23] =	ssyncset.done $0x0  }
0xaa: {  	s25 =	simm.s32 $0x1B8E;
	s24 =	sld [smem:$0x3FFE];
	[sflag:s23] =	ssyncadd.s32 $0xFFFFFFFF  }
0xab: {  	s26 =	simm.s32 $execute0_lowered;
	[smem:$0x3FD2] =	sst s25  }
0xac: {  	s5 =	sshll.u32 s26, $0x1;
	_ =	strace $0x80000049;
	[dreg:$0x1] =	wrdreg $0xFFFFFFFF  }
0xad: {  	s28 =	simm.s32 $_size_execute0_lowered;
	s3 =	sadd.s32 s3, s5;
	[dreg:$0x0] =	wrdreg $0x0  }
0xae: {  	s5 =	sshll.u32 s28, $0x1;
	[dreg:$0x2] =	wrdreg s3  }
0xaf: {  	[dreg:$0x3] =	wrdreg s5  }
0xb0: {  	[dreg:$0x4] =	wrdreg $0xC0  }
0xb1: {  	_ =	task [dreg:s7], $0x5FFFF  }
0xb2: {  	[dreg:$0x1] =	wrdreg $0xFFFFFFFF  }
0xb3: {  	[dreg:$0x0] =	wrdreg $0x60  }
0xb4: {  	[dreg:$0x2] =	wrdreg s24  }
0xb5: {  	[dreg:$0x3] =	wrdreg s16  }
0xb6: {  	[dreg:$0x4] =	wrdreg $0x9  }
0xb7: {  	_ =	task.clear_ibuf [dreg:s7], $0x5FFFF;
	_ =	strace $0x90000049  }
0xb8: {  	s29 =	simm.s32 $0x9;
	_ =	strace $0x8000004B  }
0xb9: {  	_ =	swait.ge [sflag:s29], $0x1  }
0xba: {  	[sflag:s29] =	ssyncadd.s32 $0xFFFFFFFF  }
0xbb: {  	_ =	strace $0x9000004B  }
0xbc: {  	_ =	sfence  }
0xbd: {  	s30 =	sld [smem:$0x0];
	_ =	sdelay $0x2  }
0xbe: {  	s31 =	sshll.u32 s1, $0xD;
	s1 =	sshrl.u32 s1, $0x2  }
0xbf: {  	s3 =	sand.u32 $0x4000, s31;
	s1 =	sadd.s32 s1, s30  }
0xc0: {  	s0 =	sor.u32 s3, s0;
	s1 =	sshll.u32 s1, $0x11  }
0xc1: {  	s0 =	sor.u32 s1, s0  }
0xc2: {  	s0 =	sadd.s32 $0x8F2B, s0  }
0xc3: {  	[sflag:s0] =	ssyncadd.remote.s32 $0x1  }
0xc4: {  	_ =	sfence.sel $0xFFFF  }
0xc5: {  	[dreg:$0x0] =	wrdreg $0xFFFFFFFF;
	(pc) =	sbr.abs _section_cstart, $3  }
0xc6: {  	[dreg:$0x1] =	wrdreg $0xFFFFFFFF  }
0xc7: {  	_ =	task.clear_ibuf [dreg:s7], $0x2FFFF;
	_ =	strace $0x9FFFFFFF  }
0xc8: {  	(tm) =	ssettm $0x7FFFFFFF  }
0xc9: {  	_ =	shalt  }
tec
execute0_lowered:
.L_overlay_start_1:
0x0: {  	(tag) =	ssettag $0x1  }
0x1: {  	s0 =	rddreg [dreg:$0x0]  }
0x2: {  	s5 =	rddreg [dreg:$0x1];
	s3 =	srdreg.scid  }
0x3: {  	s2 =	simm.s32 $0x0;
	s1 =	stileid.u32;
	s26 =	simm.s32 $0x880  }
0x4: {  	s10 =	simm.s32 $0x1880;
	s11 =	simm.s32 $0x2080;
	s12 =	simm.s32 $0x2880  }
0x5: {  	s13 =	simm.s32 $0x3080;
	s14 =	simm.s32 $0x3880;
	s15 =	simm.s32 $0x4080  }
0x6: {  	s16 =	simm.s32 $0x4880;
	s17 =	simm.s32 $0x5080;
	s18 =	simm.s32 $0x5880  }
0x7: {  	s19 =	simm.s32 $0x6080;
	s20 =	simm.s32 $0x6880;
	s21 =	simm.s32 $0x7080  }
0x8: {  	s22 =	simm.s32 $0x7880;
	s28 =	simm.s32 $0xA080;
	s29 =	simm.s32 $0xA880  }
0x9: {  	s30 =	simm.s32 $0xB080;
	s31 =	simm.s32 $0xB880;
	s3 =	sand.u32 $0x1, s3  }
0xa: {  	[smem:$0x7FF] =	sst s2;
	s4 =	sshll.u32 s1, $0x4;
	s6 =	sshll.u32 s3, $0x3  }
0xb: {  	_ =	strace $0x8000004A;
	s23 =	ssub.s32 $0x2, s3;
	s3 =	sadd.s32 $0xA600, s0  }
0xc: {  	[dreg:$0x5] =	wrdreg s26;
	s26 =	simm.s32 $0x9880;
	s4 =	sor.u32 s6, s4  }
0xd: {  	s8 =	sshrl.u32 s23, $0x1;
	s7 =	sadd.s32 s4, s0;
	s9 =	smul.u32 $0x300, s4  }
0xe: {  	s6 =	ssub.s32 s23, s8;
	s4 =	sadd.s32 $0xA700, s0;
	s8 =	simm.s32 $0x80  }
0xf: {  	s23 =	simm.s32 $0x8080;
	s24 =	sadd.s32 $0xA400, s7;
	s6 =	smax.u32 s6, $0x1  }
0x10: {  	v2 =	vlaneseq.u32;
	s7 =	simm.s32 $0x2;
	[dreg:$0x3] =	wrdreg s24;
	s25 =	sadd.s32 s5, s9  }
0x11: {  	vm0 =	vmmov $0xffff;
	v1 =	vshrl.u32 v2, $0x3;
	s5 =	sadd.s32 $0xA800, s0;
	s9 =	simm.s32 $0x1080;
	s24 =	simm.s32 $0x8880  }
0x12: {  	v0 =	vand.u32 $0x7, v2;
	v2 =	vor.u32 $0x8, v2;
	v1 =	vmul.u32 $0x8, v1;
	s0 =	simm.s32 $0x1;
	[dreg:$0x4] =	wrdreg s25;
	s25 =	simm.s32 $0x9080  }
.LBB2_1:
0x13: {  	s1 =	rddreg [dreg:$0x3]  }
0x14: {  	[tilespmem:s2], [sflag:$0x2] =	stream.linear.gather [hbm4b:s1+s2], $0x40, $0x38;
	[tilespmem:$0xC080] =	vst v63  }
0x15: {  	_ =	swait.ge [sflag:s7], $0x40  }
0x16: {  	[sflag:s7] =	ssyncset.done $0x0  }
0x17: {  	[sflag:s7] =	ssyncadd.s32 $0xFFFFFFC0  }
0x18: {  	v3 =	vld [tilespmem:$0x0];
	_ =	sdelay $0x4  }
0x19: {  	v4 =	vshrl.u32 v3, $0x3  }
0x1a: {  	v4 =	vmul.u32 $0x30, v4  }
0x1b: {  	v3 =	vand.u32 $0x7, v3  }
0x1c: {  	v3 =	vor.u32 v3, v4  }
0x1d: {  	v4 =	vperm.xlane v3, v0;
	_ =	sdelay $0x1  }
0x1e: {  	v4 =	vadd.s32 v1, v4;
	_ =	sdelay $0x3  }
0x1f: {  	v3 =	vperm.xlane v3, v2  }
0x20: {  	[tilespmem:s8], [sflag:$0x1] =	stream.indirect_vreg.gather [hbm4b:s3+s2], $0x80, v4, vm0, $0xb8;
	[tilespmem:$0xC080] =	vst v63  }
0x21: {  	s1 =	rddreg [dreg:$0x5];
	v3 =	vadd.s32 v1, v3  }
0x22: {  	[tilespmem:s1], [sflag:$0x1] =	stream.indirect_vreg.gather [hbm4b:s4+s2], $0x80, v4, vm0, $0xb8;
	[tilespmem:$0xC080] =	vst v63  }
0x23: {  	_ = 	snop  }
0x24: {  	[tilespmem:s9], [sflag:$0x1] =	stream.indirect_vreg.gather [hbm4b:s5+s2], $0x80, v4, vm0, $0xb8;
	[tilespmem:$0xC080] =	vst v63  }
0x25: {  	_ = 	snop  }
0x26: {  	[tilespmem:s10], [sflag:$0x1] =	stream.indirect_vreg.gather [hbm4b:s3+s2], $0x80, v3, vm0, $0xb8;
	[tilespmem:$0xC080] =	vst v63  }
0x27: {  	_ = 	snop  }
0x28: {  	[tilespmem:s11], [sflag:$0x1] =	stream.indirect_vreg.gather [hbm4b:s4+s2], $0x80, v3, vm0, $0xb8;
	[tilespmem:$0xC080] =	vst v63  }
0x29: {  	_ = 	snop  }
0x2a: {  	[tilespmem:s12], [sflag:$0x1] =	stream.indirect_vreg.gather [hbm4b:s5+s2], $0x80, v3, vm0, $0xb8;
	[tilespmem:$0xC080] =	vst v63  }
0x2b: {  	v3 =	vld [tilespmem:$0x10];
	_ =	sdelay $0x4  }
0x2c: {  	v61 =	vshrl.u32 v3, $0x3  }
0x2d: {  	v4 =	vmul.u32 $0x30, v61  }
0x2e: {  	v3 =	vand.u32 $0x7, v3  }
0x2f: {  	v3 =	vor.u32 v3, v4  }
0x30: {  	v4 =	vperm.xlane v3, v0;
	_ =	sdelay $0x1  }
0x31: {  	v4 =	vadd.s32 v1, v4;
	_ =	sdelay $0x3  }
0x32: {  	v3 =	vperm.xlane v3, v2  }
0x33: {  	[tilespmem:s13], [sflag:$0x1] =	stream.indirect_vreg.gather [hbm4b:s3+s2], $0x80, v4, vm0, $0xb8;
	[tilespmem:$0xC080] =	vst v63  }
0x34: {  	v3 =	vadd.s32 v1, v3  }
0x35: {  	[tilespmem:s14], [sflag:$0x1] =	stream.indirect_vreg.gather [hbm4b:s4+s2], $0x80, v4, vm0, $0xb8;
	[tilespmem:$0xC080] =	vst v63  }
0x36: {  	_ = 	snop  }
0x37: {  	[tilespmem:s15], [sflag:$0x1] =	stream.indirect_vreg.gather [hbm4b:s5+s2], $0x80, v4, vm0, $0xb8;
	[tilespmem:$0xC080] =	vst v63  }
0x38: {  	_ = 	snop  }
0x39: {  	[tilespmem:s16], [sflag:$0x1] =	stream.indirect_vreg.gather [hbm4b:s3+s2], $0x80, v3, vm0, $0xb8;
	[tilespmem:$0xC080] =	vst v63  }
0x3a: {  	_ = 	snop  }
0x3b: {  	[tilespmem:s17], [sflag:$0x1] =	stream.indirect_vreg.gather [hbm4b:s4+s2], $0x80, v3, vm0, $0xb8;
	[tilespmem:$0xC080] =	vst v63  }
0x3c: {  	_ = 	snop  }
0x3d: {  	[tilespmem:s18], [sflag:$0x1] =	stream.indirect_vreg.gather [hbm4b:s5+s2], $0x80, v3, vm0, $0xb8;
	[tilespmem:$0xC080] =	vst v63  }
0x3e: {  	v3 =	vld [tilespmem:$0x20];
	_ =	sdelay $0x4  }
0x3f: {  	v62 =	vshrl.u32 v3, $0x3  }
0x40: {  	v4 =	vmul.u32 $0x30, v62  }
0x41: {  	v3 =	vand.u32 $0x7, v3  }
0x42: {  	v3 =	vor.u32 v3, v4  }
0x43: {  	v4 =	vperm.xlane v3, v0;
	_ =	sdelay $0x1  }
0x44: {  	v4 =	vadd.s32 v1, v4;
	_ =	sdelay $0x3  }
0x45: {  	v3 =	vperm.xlane v3, v2  }
0x46: {  	[tilespmem:s19], [sflag:$0x1] =	stream.indirect_vreg.gather [hbm4b:s3+s2], $0x80, v4, vm0, $0xb8;
	[tilespmem:$0xC080] =	vst v63  }
0x47: {  	v3 =	vadd.s32 v1, v3  }
0x48: {  	[tilespmem:s20], [sflag:$0x1] =	stream.indirect_vreg.gather [hbm4b:s4+s2], $0x80, v4, vm0, $0xb8;
	[tilespmem:$0xC080] =	vst v63  }
0x49: {  	_ = 	snop  }
0x4a: {  	[tilespmem:s21], [sflag:$0x1] =	stream.indirect_vreg.gather [hbm4b:s5+s2], $0x80, v4, vm0, $0xb8;
	[tilespmem:$0xC080] =	vst v63  }
0x4b: {  	_ = 	snop  }
0x4c: {  	[tilespmem:s22], [sflag:$0x1] =	stream.indirect_vreg.gather [hbm4b:s3+s2], $0x80, v3, vm0, $0xb8;
	[tilespmem:$0xC080] =	vst v63  }
0x4d: {  	_ = 	snop  }
0x4e: {  	[tilespmem:s23], [sflag:$0x1] =	stream.indirect_vreg.gather [hbm4b:s4+s2], $0x80, v3, vm0, $0xb8;
	[tilespmem:$0xC080] =	vst v63  }
0x4f: {  	_ = 	snop  }
0x50: {  	[tilespmem:s24], [sflag:$0x1] =	stream.indirect_vreg.gather [hbm4b:s5+s2], $0x80, v3, vm0, $0xb8;
	[tilespmem:$0xC080] =	vst v63  }
0x51: {  	v3 =	vld [tilespmem:$0x30];
	_ =	sdelay $0x4  }
0x52: {  	v63 =	vshrl.u32 v3, $0x3  }
0x53: {  	v4 =	vmul.u32 $0x30, v63  }
0x54: {  	v3 =	vand.u32 $0x7, v3  }
0x55: {  	v3 =	vor.u32 v3, v4  }
0x56: {  	v4 =	vperm.xlane v3, v0;
	_ =	sdelay $0x1  }
0x57: {  	v4 =	vadd.s32 v1, v4;
	_ =	sdelay $0x3  }
0x58: {  	v3 =	vperm.xlane v3, v2  }
0x59: {  	[tilespmem:s25], [sflag:$0x1] =	stream.indirect_vreg.gather [hbm4b:s3+s2], $0x80, v4, vm0, $0xb8;
	[tilespmem:$0xC080] =	vst v63  }
0x5a: {  	v3 =	vadd.s32 v1, v3  }
0x5b: {  	[tilespmem:s26], [sflag:$0x1] =	stream.indirect_vreg.gather [hbm4b:s4+s2], $0x80, v4, vm0, $0xb8;
	[tilespmem:$0xC080] =	vst v63  }
0x5c: {  	_ = 	snop  }
0x5d: {  	[tilespmem:s28], [sflag:$0x1] =	stream.indirect_vreg.gather [hbm4b:s5+s2], $0x80, v4, vm0, $0xb8;
	[tilespmem:$0xC080] =	vst v63  }
0x5e: {  	_ = 	snop  }
0x5f: {  	[tilespmem:s29], [sflag:$0x1] =	stream.indirect_vreg.gather [hbm4b:s3+s2], $0x80, v3, vm0, $0xb8;
	[tilespmem:$0xC080] =	vst v63  }
0x60: {  	_ = 	snop  }
0x61: {  	[tilespmem:s30], [sflag:$0x1] =	stream.indirect_vreg.gather [hbm4b:s4+s2], $0x80, v3, vm0, $0xb8;
	[tilespmem:$0xC080] =	vst v63  }
0x62: {  	_ = 	snop  }
0x63: {  	[tilespmem:s31], [sflag:$0x1] =	stream.indirect_vreg.gather [hbm4b:s5+s2], $0x80, v3, vm0, $0xb8;
	[tilespmem:$0xC080] =	vst v63  }
0x64: {  	_ =	swait.ge [sflag:s0], $0xC000  }
0x65: {  	p0 =	sne.s32 s6, $0x1;
	[sflag:s0] =	ssyncset.done $0x0  }
.Ltmp0:
0x66: {  	s1 =	rddreg [dreg:$0x4];
	[sflag:s0] =	ssyncadd.s32 $0xFFFF4000;
	(pc) =	sbr.rel @p0 .LBB2_1-.Ltmp0, $4  }
0x67: {  	[hbm4b:s1+s2] =	stream.linear.scatter [tilespmem:s8], [sflag:$0x2], $0xC000, $0x38;
	[tilespmem:$0xC080] =	vst v63  }
0x68: {  	_ =	swait.ge [sflag:s7], $0xC000  }
0x69: {  	[sflag:s7] =	ssyncset.done $0x0  }
0x6a: {  	s6 =	sadd.s32 $0xFFFFFFFF, s6;
	[sflag:s7] =	ssyncadd.s32 $0xFFFF4000  }
0x6b: {  	_ =	sfence.sel $0x180000  }
0x6c: {  	[bflag:$0x0] =	sbarrier.arrive $0xFFFF  }
0x6d: {  	_ =	strace $0x9000004A  }
0x6e: {  	s0 =	stileid.u32;
	[bflag:$0x2] =	sbarrier.arrive $0xFFFF  }
0x6f: {  	p0 =	sne.s32 s0, $0x0;
	s0 =	rddreg [dreg:$0x2]  }
0x70: {  	s0 =	sadd.s32 @!p0 $0x100000, s0  }
0x71: {  	[sflag:s0] =	ssyncadd.tile.s32 @!p0 $0x1;
	_ =	shalt  }
.Lfunc_end2:
_tile_overlayer_lowered:
.L_overlay_start_2:
0x72: {  	(tag) =	ssettag $0x2  }
0x73: {  	s0 =	rddreg [dreg:$0x0];
	s2 =	stileid.u32  }
0x74: {  	s1 =	rddreg [dreg:$0x1];
	p0 =	sne.s32 s2, $0x0  }
0x75: {  	s3 =	rddreg [dreg:$0x2];
	[bflag:$0x3] =	sbarrier.arrive $0xFFFF;
	s2 =	simm.s32 @!p0 $0x1C02  }
0x76: {  	[timem:s3], [sflag:s2] =	dma.local @!p0 [hbm:s0], s1  }
0x77: {  	s0 =	simm.s32 @!p0 $0x2  }
0x78: {  	_ =	swait.ge @!p0 [sflag:s0], s1  }
0x79: {  	s1 =	ssub.s32 @!p0 $0x0, s1;
	[sflag:s0] =	ssyncset.done @!p0 $0x0  }
0x7a: {  	[sflag:s0] =	ssyncadd.s32 @!p0 s1  }
0x7b: {  	[bflag:$0x3] =	sbarrier.arrive $0xFFFF  }
0x7c: {  	_ =	shalt  }

// kernel: kernel.9.cloned.1.call-start
scs
__scs_entry_jumppad:
0x0: {  	(pc) =	sbr.rel $0x88, $3  }
0x1: {  	(tag) =	ssettag $0x0;
	lr =	simm.s32 $0x1  }
0x2: {  	[smem:$0x3F93] =	sst lr;
	_ =	strace $0xD0000000  }
0x3: {  	_ = 	snop  }
0x4: {  	_ = 	snop  }
0x5: {  	_ = 	snop  }
0x6: {  	_ = 	snop  }
0x7: {  	_ = 	snop  }
__scs_overlays_trampoline_lowered:
0x8: {  	[smem:$0x3FA2] =	sst s0  }
0x9: {  	[smem:$0x3FA3] =	sst s1  }
0xa: {  	[smem:$0x3FA4] =	sst s2  }
0xb: {  	[smem:$0x3FA5] =	sst s3  }
0xc: {  	[smem:$0x3FA6] =	sst s4  }
0xd: {  	[smem:$0x3FA7] =	sst s5  }
0xe: {  	[smem:$0x3FA8] =	sst s6  }
0xf: {  	[smem:$0x3FA9] =	sst s7  }
0x10: {  	[smem:$0x3FAA] =	sst s8  }
0x11: {  	[smem:$0x3FAB] =	sst s9;
	s0 =	simm.s32 @!p0 $0x0  }
0x12: {  	s1 =	sld [smem:$0x3F91];
	s0 =	simm.s32 @p0 $0x1  }
0x13: {  	[smem:$0x3FAC] =	sst s0;
	s0 =	simm.s32 @!p1 $0x0  }
0x14: {  	s2 =	sld [smem:$0x3F90];
	s0 =	simm.s32 @p1 $0x1  }
0x15: {  	[smem:$0x3FAD] =	sst s0;
	s0 =	simm.s32 @!p2 $0x0  }
0x16: {  	s3 =	sld [smem:$0x3FDB];
	s0 =	simm.s32 @p2 $0x1  }
0x17: {  	s4 =	simm.s32 $0x1BF5;
	[smem:$0x3FAF] =	sst s0  }
0x18: {  	s0 =	sld [smem:$0x3F92];
	_ =	swait.ge [sflag:s4], $0x0  }
0x19: {  	s7 =	sld [smem:$0x3F93]  }
0x1a: {  	s8 =	sadd.s32 $0xFFFFE003, lr  }
0x1b: {  	s9 =	sadd.s32 $0xFFFFFEF7, lr;
	s5 =	simm.s32 $0xFFFFFFFF;
	p2 =	slt.u32 s8, $0xFFFFF086  }
0x1c: {  	p1 =	slt.u32 s9, $0xF7A;
	s5 =	simm.s32 @!p2 $0x0  }
0x1d: {  	s5 =	simm.s32 @p1 $0x1;
	p0 =	seq.s32 s7, s2  }
0x1e: {  	s7 =	smul.u32 @!p0 $0xF7A, s2;
	p2 =	seq.s32 @!p0 s5, $0x0  }
0x1f: {  	s9 =	smul.u32 $0xF7A, s1;
	s8 =	simm.s32 @!p0 $0x1BF5;
	p2 =	por !p2, p0  }
0x20: {  	[sflag:s8] =	ssyncset.s32 @!p0 $0xFFFFF086;
	s6 =	sadd.s32 @!p0 s3, s7;
	s7 =	simm.s32 @!p0 $0x108  }
0x21: {  	s3 =	sadd.s32 s3, s9;
	s6 =	sadd.s32 @!p0 $0x88, s6;
	s7 =	simm.s32 @p2 $0x1082  }
0x22: {  	[simem:s7], [sflag:s8] =	dma.local @!p0 [hbm:s6], $0xF7A  }
0x23: {  	s9 =	sor.u32 $0xD0000000, s2;
	s6 =	simm.s32 $0x108;
	_ =	swait.ge @!p0 [sflag:s8], $0x0  }
0x24: {  	s3 =	sadd.s32 $0x88, s3;
	s6 =	simm.s32 @!p1 $0x1082;
	[sflag:s4] =	ssyncset.s32 $0xFFFFF086  }
0x25: {  	[simem:s6], [sflag:s4] =	dma.local [hbm:s3], $0xF7A  }
0x26: {  	[smem:$0x3F93] =	sst s1;
	(tag) =	ssettag s2;
	_ =	strace s9  }
0x27: {  	s1 =	sld [smem:$0x3FA3]  }
0x28: {  	s2 =	sld [smem:$0x3FA4]  }
0x29: {  	s4 =	sld [smem:$0x3FA6]  }
0x2a: {  	p0 =	seq.s32 s5, $0x0;
	s5 =	sld [smem:$0x3FA7]  }
0x2b: {  	s6 =	sld [smem:$0x3FA8]  }
0x2c: {  	s7 =	sld [smem:$0x3FA9]  }
0x2d: {  	s3 =	simm.s32 $0x108;
	s8 =	sld [smem:$0x3FAA]  }
0x2e: {  	s3 =	simm.s32 @!p0 $0x1082;
	s9 =	sld [smem:$0x3FAB]  }
0x2f: {  	lr =	sadd.s32 s0, s3;
	s0 =	sld [smem:$0x3FA2]  }
0x30: {  	s3 =	sld [smem:$0x3FA5]  }
0x31: {  	[smem:$0x3FAE] =	sst s10  }
0x32: {  	s10 =	sld [smem:$0x3FAC];
	_ =	sdelay $0x3  }
0x33: {  	p0 =	seq.s32 s10, $0x1;
	s10 =	sld [smem:$0x3FAE];
	_ =	sdelay $0x3  }
0x34: {  	[smem:$0x3FAE] =	sst s10  }
0x35: {  	s10 =	sld [smem:$0x3FAD];
	_ =	sdelay $0x3  }
0x36: {  	p1 =	seq.s32 s10, $0x1;
	s10 =	sld [smem:$0x3FAE];
	_ =	sdelay $0x3  }
0x37: {  	[smem:$0x3FAE] =	sst s10  }
0x38: {  	s10 =	sld [smem:$0x3FAF]  }
0x39: {  	_ = 	snop;
	(pc) =	sbr.ind lr, $3  }
0x3a: {  	_ = 	snop  }
0x3b: {  	_ = 	snop  }
0x3c: {  	p2 =	seq.s32 s10, $0x1;
	s10 =	sld [smem:$0x3FAE]  }
0x3d: {  	_ =	shalt  }
0x3e: {  	_ =	shalt  }
0x3f: {  	_ =	shalt  }
0x40: {  	_ =	shalt  }
0x41: {  	_ =	shalt  }
0x42: {  	_ =	shalt  }
0x43: {  	_ =	shalt  }
0x44: {  	_ =	shalt  }
0x45: {  	_ =	shalt  }
0x46: {  	_ =	shalt  }
0x47: {  	_ =	shalt  }
0x48: {  	_ =	shalt  }
0x49: {  	_ =	shalt  }
0x4a: {  	_ =	shalt  }
0x4b: {  	_ =	shalt  }
0x4c: {  	_ =	shalt  }
0x4d: {  	_ =	shalt  }
0x4e: {  	_ =	shalt  }
0x4f: {  	_ =	shalt  }
0x50: {  	_ =	shalt  }
0x51: {  	_ =	shalt  }
0x52: {  	_ =	shalt  }
0x53: {  	_ =	shalt  }
0x54: {  	_ =	shalt  }
0x55: {  	_ =	shalt  }
0x56: {  	_ =	shalt  }
0x57: {  	_ =	shalt  }
0x58: {  	_ =	shalt  }
0x59: {  	_ =	shalt  }
0x5a: {  	_ =	shalt  }
0x5b: {  	_ =	shalt  }
0x5c: {  	_ =	shalt  }
0x5d: {  	_ =	shalt  }
0x5e: {  	_ =	shalt  }
0x5f: {  	_ =	shalt  }
0x60: {  	_ =	shalt  }
0x61: {  	_ =	shalt  }
0x62: {  	_ =	shalt  }
0x63: {  	_ =	shalt  }
0x64: {  	_ =	shalt  }
0x65: {  	_ =	shalt  }
0x66: {  	_ =	shalt  }
0x67: {  	_ =	shalt  }
0x68: {  	_ =	shalt  }
0x69: {  	_ =	shalt  }
0x6a: {  	_ =	shalt  }
0x6b: {  	_ =	shalt  }
0x6c: {  	_ =	shalt  }
0x6d: {  	_ =	shalt  }
0x6e: {  	_ =	shalt  }
0x6f: {  	_ =	shalt  }
0x70: {  	_ =	shalt  }
0x71: {  	_ =	shalt  }
0x72: {  	_ =	shalt  }
0x73: {  	_ =	shalt  }
0x74: {  	_ =	shalt  }
0x75: {  	_ =	shalt  }
0x76: {  	_ =	shalt  }
0x77: {  	_ =	shalt  }
0x78: {  	_ =	shalt  }
0x79: {  	_ =	shalt  }
0x7a: {  	_ =	shalt  }
0x7b: {  	_ =	shalt  }
0x7c: {  	_ =	shalt  }
0x7d: {  	_ =	shalt  }
0x7e: {  	_ =	shalt  }
0x7f: {  	_ =	shalt  }
0x80: {  	_ =	shalt  }
0x81: {  	_ =	shalt  }
0x82: {  	_ =	shalt  }
0x83: {  	_ =	shalt  }
0x84: {  	_ =	shalt  }
0x85: {  	_ =	shalt  }
0x86: {  	_ =	shalt  }
0x87: {  	_ =	shalt  }
.Lfunc_end0:
.L_simem_size_0:
called_computation_lowered:
.L_overlay_start_0:
0x88: {  	s2 =	sld [smem:$0x3FD9]  }
0x89: {  	s3 =	sld [smem:$0x3FFE];
	_ =	sdelay $0x1  }
0x8a: {  	s1 =	srdreg.scid  }
0x8b: {  	s0 =	sand.u32 $0x1, s1  }
0x8c: {  	s14 =	sshll.u32 s0, $0xA;
	s2 =	sadd.s32 s3, s2  }
0x8d: {  	s2 =	sadd.s32 s2, s14  }
0x8e: {  	[smem:$0x3FBA] =	sst s2  }
0x8f: {  	_ = 	snop  }
0x90: {  	s2 =	sld [smem:$0x3FD0];
	_ =	sdelay $0x2  }
0x91: {  	s15 =	simm.s32 $0xA;
	s4 =	simm.s32 $0x10  }
0x92: {  	[smem:s4], [sflag:s15] =	dma.local [hbm:s2], $0x1  }
0x93: {  	_ =	swait.eq [sflag:s15], $0x1  }
0x94: {  	[sflag:s15] =	ssyncset.done $0x0  }
0x95: {  	[sflag:s15] =	ssyncadd.s32 $0xFFFFFFFF  }
0x96: {  	s16 =	sld [smem:$0x10];
	(tm) =	ssettm $0x1  }
0x97: {  	s17 =	sld [smem:$0x3FFB];
	_ =	sdelay $0x3  }
0x98: {  	_ =	strace s17  }
0x99: {  	s3 =	sld [smem:$0x3FFC];
	_ =	sdelay $0x3  }
0x9a: {  	_ =	strace s3  }
0x9b: {  	s3 =	sld [smem:$0x3FFD];
	_ =	sdelay $0x3  }
0x9c: {  	_ =	strace s3  }
0x9d: {  	_ =	strace $0x8FFFFFFF  }
0x9e: {  	s18 =	sld [smem:$0x3FDB];
	_ =	sdelay $0x1  }
0x9f: {  	s19 =	simm.s32 $_scs_section_size  }
0xa0: {  	s5 =	simm.s32 $_size__tile_overlayer_lowered;
	s6 =	simm.s32 $_tile_overlayer_lowered  }
0xa1: {  	s22 =	simm.s32 $0x1BFF;
	s21 =	sshll.u32 s6, $0x1;
	s3 =	sadd.s32 s19, s18  }
0xa2: {  	s7 =	simm.s32 $0x0;
	s20 =	sshll.u32 s5, $0x1;
	s5 =	sadd.s32 s21, s3  }
0xa3: {  	[timem:s7], [sflag:s22] =	dma.local [hbm:s5], s20  }
0xa4: {  	_ =	swait.ge [sflag:s22], s20  }
0xa5: {  	s4 =	ssub.s32 $0x0, s20;
	[sflag:s22] =	ssyncset.done $0x0  }
0xa6: {  	[sflag:s22] =	ssyncadd.s32 s4;
	_ =	sdelay $0x1  }
0xa7: {  	s23 =	simm.s32 $0x1B8B  }
0xa8: {  	_ =	swait.ge [sflag:s23], $0x1  }
0xa9: {  	[sflag:s23] =	ssyncset.done $0x0  }
0xaa: {  	s25 =	simm.s32 $0x1B8E;
	s24 =	sld [smem:$0x3FFE];
	[sflag:s23] =	ssyncadd.s32 $0xFFFFFFFF  }
0xab: {  	s26 =	simm.s32 $execute0_lowered;
	[smem:$0x3FD2] =	sst s25  }
0xac: {  	s5 =	sshll.u32 s26, $0x1;
	_ =	strace $0x80000046;
	[dreg:$0x1] =	wrdreg $0xFFFFFFFF  }
0xad: {  	s28 =	simm.s32 $_size_execute0_lowered;
	s3 =	sadd.s32 s3, s5;
	[dreg:$0x0] =	wrdreg $0x0  }
0xae: {  	s5 =	sshll.u32 s28, $0x1;
	[dreg:$0x2] =	wrdreg s3  }
0xaf: {  	[dreg:$0x3] =	wrdreg s5  }
0xb0: {  	[dreg:$0x4] =	wrdreg $0xC0  }
0xb1: {  	_ =	task [dreg:s7], $0x5FFFF  }
0xb2: {  	[dreg:$0x1] =	wrdreg $0xFFFFFFFF  }
0xb3: {  	[dreg:$0x0] =	wrdreg $0x60  }
0xb4: {  	[dreg:$0x2] =	wrdreg s16  }
0xb5: {  	[dreg:$0x3] =	wrdreg s24  }
0xb6: {  	[dreg:$0x4] =	wrdreg $0x9  }
0xb7: {  	_ =	task.clear_ibuf [dreg:s7], $0x5FFFF;
	_ =	strace $0x90000046  }
0xb8: {  	s29 =	simm.s32 $0x9;
	_ =	strace $0x80000048  }
0xb9: {  	_ =	swait.ge [sflag:s29], $0x1  }
0xba: {  	[sflag:s29] =	ssyncadd.s32 $0xFFFFFFFF  }
0xbb: {  	_ =	strace $0x90000048  }
0xbc: {  	_ =	sfence  }
0xbd: {  	s30 =	sld [smem:$0x0];
	_ =	sdelay $0x2  }
0xbe: {  	s31 =	sshll.u32 s1, $0xD;
	s1 =	sshrl.u32 s1, $0x2  }
0xbf: {  	s3 =	sand.u32 $0x4000, s31;
	s1 =	sadd.s32 s1, s30  }
0xc0: {  	s0 =	sor.u32 s3, s0;
	s1 =	sshll.u32 s1, $0x11  }
0xc1: {  	s0 =	sor.u32 s1, s0  }
0xc2: {  	s0 =	sadd.s32 $0x8F2B, s0  }
0xc3: {  	[sflag:s0] =	ssyncadd.remote.s32 $0x1  }
0xc4: {  	_ =	sfence.sel $0xFFFF  }
0xc5: {  	[dreg:$0x0] =	wrdreg $0xFFFFFFFF;
	(pc) =	sbr.abs _section_cstart, $3  }
0xc6: {  	[dreg:$0x1] =	wrdreg $0xFFFFFFFF  }
0xc7: {  	_ =	task.clear_ibuf [dreg:s7], $0x2FFFF;
	_ =	strace $0x9FFFFFFF  }
0xc8: {  	(tm) =	ssettm $0x7FFFFFFF  }
0xc9: {  	_ =	shalt  }
tec
execute0_lowered:
.L_overlay_start_1:
0x0: {  	(tag) =	ssettag $0x1  }
0x1: {  	s0 =	rddreg [dreg:$0x0]  }
0x2: {  	s5 =	rddreg [dreg:$0x1];
	s2 =	srdreg.scid  }
0x3: {  	s1 =	stileid.u32;
	s23 =	simm.s32 $0x880;
	s24 =	simm.s32 $0x1080  }
0x4: {  	s25 =	simm.s32 $0x1880;
	s26 =	simm.s32 $0x2080;
	s9 =	simm.s32 $0xC080  }
0x5: {  	s11 =	simm.s32 $0x3080;
	s12 =	simm.s32 $0x3880;
	s13 =	simm.s32 $0x4080  }
0x6: {  	s14 =	simm.s32 $0x4880;
	s15 =	simm.s32 $0x5080;
	s16 =	simm.s32 $0x5880  }
0x7: {  	s17 =	simm.s32 $0x6080;
	s18 =	simm.s32 $0x6880;
	s28 =	simm.s32 $0xB080  }
0x8: {  	s29 =	simm.s32 $0xB880;
	s3 =	sand.u32 $0x1, s2;
	s2 =	simm.s32 $0x0  }
0x9: {  	s30 =	simm.s32 $0x40;
	s8 =	sadd.s32 $0xA600, s5;
	[smem:$0x7FF] =	sst s2  }
0xa: {  	s31 =	simm.s32 $0x1;
	_ =	strace $0x80000047;
	[dreg:$0x3] =	wrdreg s8  }
0xb: {  	s4 =	sshll.u32 s1, $0x7;
	s6 =	sshll.u32 s3, $0x6;
	[dreg:$0x7] =	wrdreg s23  }
0xc: {  	s19 =	ssub.s32 $0x2, s3;
	s3 =	sadd.s32 $0x1C600, s5;
	[dreg:$0x8] =	wrdreg s24  }
0xd: {  	s4 =	sor.u32 s6, s4;
	s20 =	sshrl.u32 s19, $0x1;
	[dreg:$0x9] =	wrdreg s25  }
0xe: {  	s8 =	simm.s32 $0x80;
	[dreg:$0xa] =	wrdreg s26;
	s23 =	simm.s32 $0x9080  }
0xf: {  	s24 =	simm.s32 $0x9880;
	s25 =	simm.s32 $0xA080;
	s26 =	simm.s32 $0xA880  }
0x10: {  	s6 =	sshll.u32 s4, $0x4;
	s4 =	sshrl.u32 s4, $0x3;
	s22 =	ssub.s32 s19, s20  }
0x11: {  	s19 =	simm.s32 $0x7080;
	s20 =	simm.s32 $0x7880;
	s7 =	sadd.s32 s4, s5  }
0x12: {  	s4 =	smul.u32 $0x300, s4;
	s6 =	sadd.s32 s6, s5;
	s7 =	sadd.s32 $0xA400, s7  }
0x13: {  	s21 =	sadd.s32 $0x2400, s6;
	s6 =	smax.u32 s22, $0x1;
	[dreg:$0x4] =	wrdreg s7  }
0x14: {  	v2 =	vlaneseq.u32;
	s22 =	simm.s32 $0x8880;
	s0 =	sadd.s32 s0, s4;
	[dreg:$0x6] =	wrdreg s21  }
0x15: {  	vm0 =	vmmov $0xffff;
	v1 =	vshrl.u32 v2, $0x3;
	s4 =	sadd.s32 $0x1C700, s5;
	s5 =	sadd.s32 $0x1C800, s5;
	s7 =	simm.s32 $0x3  }
0x16: {  	v0 =	vand.u32 $0x7, v2;
	v2 =	vor.u32 $0x8, v2;
	v1 =	vmul.u32 $0x8, v1;
	s21 =	simm.s32 $0x8080;
	[dreg:$0x5] =	wrdreg s0;
	s0 =	simm.s32 $0x2  }
.LBB2_1:
0x17: {  	s1 =	rddreg [dreg:$0x4]  }
0x18: {  	[tilespmem:s2], [sflag:$0x3] =	stream.linear.gather [hbm4b:s1+s2], $0x40, $0x38;
	[tilespmem:$0xE080] =	vst v63  }
0x19: {  	_ =	swait.ge [sflag:s7], $0x40  }
0x1a: {  	[sflag:s7] =	ssyncset.done $0x0  }
0x1b: {  	s10 =	rddreg [dreg:$0x5];
	[sflag:s7] =	ssyncadd.s32 $0xFFFFFFC0  }
0x1c: {  	[tilespmem:s8], [sflag:$0x3] =	stream.linear.gather [hbm4b:s10+s2], $0xC000, $0x38;
	[tilespmem:$0xE080] =	vst v63  }
0x1d: {  	_ =	swait.ge [sflag:s7], $0xC000  }
0x1e: {  	[sflag:s7] =	ssyncset.done $0x0  }
0x1f: {  	s10 =	rddreg [dreg:$0x6];
	[sflag:s7] =	ssyncadd.s32 $0xFFFF4000  }
0x20: {  	[tilespmem:s9], [sflag:$0x3] =	stream.linear.gather [hbm4b:s10+s2], $0x2000, $0x38;
	[tilespmem:$0xE080] =	vst v63  }
0x21: {  	_ =	swait.ge [sflag:s7], $0x2000  }
0x22: {  	[sflag:s7] =	ssyncset.done $0x0  }
0x23: {  	[sflag:s7] =	ssyncadd.s32 $0xFFFFE000  }
0x24: {  	v3 =	vld [tilespmem:$0x0];
	_ =	sdelay $0x4  }
0x25: {  	v4 =	vshrl.u32 v3, $0x3  }
0x26: {  	v4 =	vmul.u32 $0x30, v4  }
0x27: {  	v3 =	vand.u32 $0x7, v3  }
0x28: {  	v3 =	vor.u32 v3, v4  }
0x29: {  	v4 =	vperm.xlane v3, v0;
	_ =	sdelay $0x1  }
0x2a: {  	v4 =	vadd.s32 v1, v4;
	_ =	sdelay $0x3  }
0x2b: {  	v3 =	vperm.xlane v3, v2  }
0x2c: {  	[hbm4b:s3+s2] =	stream.indirect_vreg.scatter [tilespmem:s8], [sflag:$0x1], $0x80, v4, vm0, $0xb8;
	[tilespmem:$0xE080] =	vst v63  }
0x2d: {  	s1 =	rddreg [dreg:$0x7];
	v3 =	vadd.s32 v1, v3  }
0x2e: {  	[hbm4b:s4+s2] =	stream.indirect_vreg.scatter [tilespmem:s1], [sflag:$0x1], $0x80, v4, vm0, $0xb8;
	[tilespmem:$0xE080] =	vst v63  }
0x2f: {  	s10 =	rddreg [dreg:$0x8]  }
0x30: {  	[hbm4b:s5+s2] =	stream.indirect_vreg.scatter [tilespmem:s10], [sflag:$0x1], $0x80, v4, vm0, $0xb8;
	[tilespmem:$0xE080] =	vst v63  }
0x31: {  	s1 =	rddreg [dreg:$0x9]  }
0x32: {  	[hbm4b:s3+s2] =	stream.indirect_vreg.scatter [tilespmem:s1], [sflag:$0x1], $0x80, v3, vm0, $0xb8;
	[tilespmem:$0xE080] =	vst v63  }
0x33: {  	s10 =	rddreg [dreg:$0xa]  }
0x34: {  	[hbm4b:s4+s2] =	stream.indirect_vreg.scatter [tilespmem:s10], [sflag:$0x1], $0x80, v3, vm0, $0xb8;
	[tilespmem:$0xE080] =	vst v63  }
0x35: {  	s10 =	simm.s32 $0x2880  }
0x36: {  	[hbm4b:s5+s2] =	stream.indirect_vreg.scatter [tilespmem:s10], [sflag:$0x1], $0x80, v3, vm0, $0xb8;
	[tilespmem:$0xE080] =	vst v63  }
0x37: {  	v3 =	vld [tilespmem:$0x10];
	_ =	sdelay $0x4  }
0x38: {  	v61 =	vshrl.u32 v3, $0x3  }
0x39: {  	v4 =	vmul.u32 $0x30, v61  }
0x3a: {  	v3 =	vand.u32 $0x7, v3  }
0x3b: {  	v3 =	vor.u32 v3, v4  }
0x3c: {  	v4 =	vperm.xlane v3, v0;
	_ =	sdelay $0x1  }
0x3d: {  	v4 =	vadd.s32 v1, v4;
	_ =	sdelay $0x3  }
0x3e: {  	v3 =	vperm.xlane v3, v2  }
0x3f: {  	[hbm4b:s3+s2] =	stream.indirect_vreg.scatter [tilespmem:s11], [sflag:$0x1], $0x80, v4, vm0, $0xb8;
	[tilespmem:$0xE080] =	vst v63  }
0x40: {  	v3 =	vadd.s32 v1, v3  }
0x41: {  	[hbm4b:s4+s2] =	stream.indirect_vreg.scatter [tilespmem:s12], [sflag:$0x1], $0x80, v4, vm0, $0xb8;
	[tilespmem:$0xE080] =	vst v63  }
0x42: {  	_ = 	snop  }
0x43: {  	[hbm4b:s5+s2] =	stream.indirect_vreg.scatter [tilespmem:s13], [sflag:$0x1], $0x80, v4, vm0, $0xb8;
	[tilespmem:$0xE080] =	vst v63  }
0x44: {  	_ = 	snop  }
0x45: {  	[hbm4b:s3+s2] =	stream.indirect_vreg.scatter [tilespmem:s14], [sflag:$0x1], $0x80, v3, vm0, $0xb8;
	[tilespmem:$0xE080] =	vst v63  }
0x46: {  	_ = 	snop  }
0x47: {  	[hbm4b:s4+s2] =	stream.indirect_vreg.scatter [tilespmem:s15], [sflag:$0x1], $0x80, v3, vm0, $0xb8;
	[tilespmem:$0xE080] =	vst v63  }
0x48: {  	_ = 	snop  }
0x49: {  	[hbm4b:s5+s2] =	stream.indirect_vreg.scatter [tilespmem:s16], [sflag:$0x1], $0x80, v3, vm0, $0xb8;
	[tilespmem:$0xE080] =	vst v63  }
0x4a: {  	v3 =	vld [tilespmem:$0x20];
	_ =	sdelay $0x4  }
0x4b: {  	v62 =	vshrl.u32 v3, $0x3  }
0x4c: {  	v4 =	vmul.u32 $0x30, v62  }
0x4d: {  	v3 =	vand.u32 $0x7, v3  }
0x4e: {  	v3 =	vor.u32 v3, v4  }
0x4f: {  	v4 =	vperm.xlane v3, v0;
	_ =	sdelay $0x1  }
0x50: {  	v4 =	vadd.s32 v1, v4;
	_ =	sdelay $0x3  }
0x51: {  	v3 =	vperm.xlane v3, v2  }
0x52: {  	[hbm4b:s3+s2] =	stream.indirect_vreg.scatter [tilespmem:s17], [sflag:$0x1], $0x80, v4, vm0, $0xb8;
	[tilespmem:$0xE080] =	vst v63  }
0x53: {  	v3 =	vadd.s32 v1, v3  }
0x54: {  	[hbm4b:s4+s2] =	stream.indirect_vreg.scatter [tilespmem:s18], [sflag:$0x1], $0x80, v4, vm0, $0xb8;
	[tilespmem:$0xE080] =	vst v63  }
0x55: {  	_ = 	snop  }
0x56: {  	[hbm4b:s5+s2] =	stream.indirect_vreg.scatter [tilespmem:s19], [sflag:$0x1], $0x80, v4, vm0, $0xb8;
	[tilespmem:$0xE080] =	vst v63  }
0x57: {  	_ = 	snop  }
0x58: {  	[hbm4b:s3+s2] =	stream.indirect_vreg.scatter [tilespmem:s20], [sflag:$0x1], $0x80, v3, vm0, $0xb8;
	[tilespmem:$0xE080] =	vst v63  }
0x59: {  	_ = 	snop  }
0x5a: {  	[hbm4b:s4+s2] =	stream.indirect_vreg.scatter [tilespmem:s21], [sflag:$0x1], $0x80, v3, vm0, $0xb8;
	[tilespmem:$0xE080] =	vst v63  }
0x5b: {  	_ = 	snop  }
0x5c: {  	[hbm4b:s5+s2] =	stream.indirect_vreg.scatter [tilespmem:s22], [sflag:$0x1], $0x80, v3, vm0, $0xb8;
	[tilespmem:$0xE080] =	vst v63  }
0x5d: {  	v3 =	vld [tilespmem:$0x30];
	_ =	sdelay $0x4  }
0x5e: {  	v63 =	vshrl.u32 v3, $0x3  }
0x5f: {  	v4 =	vmul.u32 $0x30, v63  }
0x60: {  	v3 =	vand.u32 $0x7, v3  }
0x61: {  	v3 =	vor.u32 v3, v4  }
0x62: {  	v4 =	vperm.xlane v3, v0;
	_ =	sdelay $0x1  }
0x63: {  	v4 =	vadd.s32 v1, v4;
	_ =	sdelay $0x3  }
0x64: {  	v3 =	vperm.xlane v3, v2  }
0x65: {  	[hbm4b:s3+s2] =	stream.indirect_vreg.scatter [tilespmem:s23], [sflag:$0x1], $0x80, v4, vm0, $0xb8;
	[tilespmem:$0xE080] =	vst v63  }
0x66: {  	v3 =	vadd.s32 v1, v3  }
0x67: {  	[hbm4b:s4+s2] =	stream.indirect_vreg.scatter [tilespmem:s24], [sflag:$0x1], $0x80, v4, vm0, $0xb8;
	[tilespmem:$0xE080] =	vst v63  }
0x68: {  	_ = 	snop  }
0x69: {  	[hbm4b:s5+s2] =	stream.indirect_vreg.scatter [tilespmem:s25], [sflag:$0x1], $0x80, v4, vm0, $0xb8;
	[tilespmem:$0xE080] =	vst v63  }
0x6a: {  	_ = 	snop  }
0x6b: {  	[hbm4b:s3+s2] =	stream.indirect_vreg.scatter [tilespmem:s26], [sflag:$0x1], $0x80, v3, vm0, $0xb8;
	[tilespmem:$0xE080] =	vst v63  }
0x6c: {  	_ = 	snop  }
0x6d: {  	[hbm4b:s4+s2] =	stream.indirect_vreg.scatter [tilespmem:s28], [sflag:$0x1], $0x80, v3, vm0, $0xb8;
	[tilespmem:$0xE080] =	vst v63  }
0x6e: {  	_ = 	snop  }
0x6f: {  	[hbm4b:s5+s2] =	stream.indirect_vreg.scatter [tilespmem:s29], [sflag:$0x1], $0x80, v3, vm0, $0xb8;
	[tilespmem:$0xE080] =	vst v63  }
0x70: {  	s10 =	rddreg [dreg:$0x3]  }
0x71: {  	[hbm4b:s10+s30] =	stream.indirect.scatter [tilespmem:s9], [sflag:$0x2], $0x80, s2, s30, $0xb8;
	[tilespmem:$0xE080] =	vst v63  }
0x72: {  	p0 =	sne.s32 s6, $0x1;
	_ =	swait.ge [sflag:s31], $0xC000  }
.Ltmp0:
0x73: {  	[sflag:s31] =	ssyncset.done $0x0;
	(pc) =	sbr.rel @p0 .LBB2_1-.Ltmp0, $4  }
0x74: {  	[sflag:s31] =	ssyncadd.s32 $0xFFFF4000  }
0x75: {  	_ =	swait.ge [sflag:s0], $0x2000  }
0x76: {  	[sflag:s0] =	ssyncset.done $0x0  }
0x77: {  	s6 =	sadd.s32 $0xFFFFFFFF, s6;
	[sflag:s0] =	ssyncadd.s32 $0xFFFFE000  }
0x78: {  	_ =	sfence.sel $0x180000  }
0x79: {  	[bflag:$0x0] =	sbarrier.arrive $0xFFFF  }
0x7a: {  	_ =	strace $0x90000047  }
0x7b: {  	s0 =	stileid.u32;
	[bflag:$0x2] =	sbarrier.arrive $0xFFFF  }
0x7c: {  	p0 =	sne.s32 s0, $0x0;
	s0 =	rddreg [dreg:$0x2]  }
0x7d: {  	s0 =	sadd.s32 @!p0 $0x100000, s0  }
0x7e: {  	[sflag:s0] =	ssyncadd.tile.s32 @!p0 $0x1;
	_ =	shalt  }
.Lfunc_end2:
_tile_overlayer_lowered:
.L_overlay_start_2:
0x7f: {  	(tag) =	ssettag $0x2  }
0x80: {  	s0 =	rddreg [dreg:$0x0];
	s2 =	stileid.u32  }
0x81: {  	s1 =	rddreg [dreg:$0x1];
	p0 =	sne.s32 s2, $0x0  }
0x82: {  	s3 =	rddreg [dreg:$0x2];
	[bflag:$0x3] =	sbarrier.arrive $0xFFFF;
	s2 =	simm.s32 @!p0 $0x1C03  }
0x83: {  	[timem:s3], [sflag:s2] =	dma.local @!p0 [hbm:s0], s1  }
0x84: {  	s0 =	simm.s32 @!p0 $0x3  }
0x85: {  	_ =	swait.ge @!p0 [sflag:s0], s1  }
0x86: {  	s1 =	ssub.s32 @!p0 $0x0, s1;
	[sflag:s0] =	ssyncset.done @!p0 $0x0  }
0x87: {  	[sflag:s0] =	ssyncadd.s32 @!p0 s1  }
0x88: {  	[bflag:$0x3] =	sbarrier.arrive $0xFFFF  }
0x89: {  	_ =	shalt  }

</sc_bundles>
